<compile_context>
chip_gen: v7x
topology: tpu7x:2x2x1
jax: 0.10.2.dev20260603
libtpu: 0.0.44.dev20260713+nightly
codegen_flags: <defaults>
</compile_context>

<pallas_src>
import jax
import jax.numpy as jnp
from jax import lax
from jax.experimental import pallas as pl
from jax.experimental.pallas import tpu as pltpu
from jax.experimental.pallas import tpu_sc as plsc

BATCH = 4096
SEQ = 200
D = 64
NC = 2
NS = 16
NW = NC * NS
SEQ_PER_W = BATCH // NW
SCALE = 8.0
NBUF = 4

SPLITS = ((0, 104), (104, 96))


def _body(idx_hbm, tok_hbm, pos_hbm, out_hbm, idx_v, pos_v, bufs, gsems, osems):
    wid = lax.axis_index("s") * NC + lax.axis_index("c")

    pltpu.sync_copy(idx_hbm.at[pl.ds(wid * SEQ_PER_W * SEQ, SEQ_PER_W * SEQ)], idx_v)
    pltpu.sync_copy(pos_hbm, pos_v)

    def fire_gather(c, p):
        off = pl.multiple_of(c * SEQ, 8)
        for o, ln in SPLITS:
            pltpu.async_copy(
                tok_hbm.at[idx_v.at[pl.ds(off + o, ln)]],
                bufs[p].at[pl.ds(o, ln)],
                gsems[p],
            )

    def wait_gather(c, p):
        off = pl.multiple_of(c * SEQ, 8)
        for o, ln in SPLITS:
            pltpu.make_async_copy(
                tok_hbm.at[idx_v.at[pl.ds(off + o, ln)]],
                bufs[p].at[pl.ds(o, ln)],
                gsems[p],
            ).wait()

    def out_copy(c, p):
        base = pl.multiple_of((wid * SEQ_PER_W + c) * SEQ, 8)
        return pltpu.make_async_copy(
            bufs[p], out_hbm.at[pl.ds(base, SEQ)], osems[p]
        )

    fire_gather(0, 0)
    fire_gather(1, 1)

    def halfstep(t, p):
        c = t * NBUF + p
        pn = (p + 2) % NBUF

        def prefetch():
            out_copy(c - 2, pn).wait()
            fire_gather(c + 2, pn)

        if p >= 2:
            pl.when(t < 31)(prefetch)
        else:
            def prefetch_first():
                fire_gather(c + 2, pn)

            pl.when(t > 0)(prefetch)
            pl.when(t == 0)(prefetch_first)

        wait_gather(c, p)

        buf = bufs[p]

        @plsc.parallel_loop(0, SEQ, unroll=4)
        def row_body(j):
            for v in range(D // 16):
                sl = pl.ds(v * 16, 16)
                buf[j, sl] = buf[j, sl] * SCALE + pos_v[j, sl]

        out_copy(c, p).start()

    def body(t, carry):
        for p in range(NBUF):
            halfstep(t, p)
        return carry

    lax.fori_loop(0, SEQ_PER_W // NBUF, body, 0)

    for p in range(NBUF):
        c = SEQ_PER_W - NBUF + p
        out_copy(c, p).wait()


@jax.jit
def _run(idx_flat, tok_table, pos_table):
    mesh = plsc.VectorSubcoreMesh(
        core_axis_name="c", subcore_axis_name="s", num_cores=NC, num_subcores=NS
    )
    k = pl.kernel(
        _body,
        out_type=jax.ShapeDtypeStruct((BATCH * SEQ, D), jnp.float32),
        mesh=mesh,
        scratch_types=[
            pltpu.VMEM((SEQ_PER_W * SEQ,), jnp.int32),
            pltpu.VMEM((SEQ, D), jnp.float32),
            [pltpu.VMEM((SEQ, D), jnp.float32) for _ in range(NBUF)],
            [pltpu.SemaphoreType.DMA for _ in range(NBUF)],
            [pltpu.SemaphoreType.DMA for _ in range(NBUF)],
        ],
        compiler_params=pltpu.CompilerParams(use_tc_tiling_on_sc=False),
    )
    return k(idx_flat, tok_table, pos_table)


def kernel(inputs, tok_table, pos_table):
    idx_flat = inputs.reshape(-1).astype(jnp.int32)
    out = _run(idx_flat, tok_table, pos_table)
    return out.reshape(BATCH, SEQ, D)

# --- scband reference (transcript-rebuilt; emitter-appended) ---
"""Pipeline reference for scband-transformer-embedding-14791867367506 (READ-ONLY COPY).

The authoritative reference and input builder live on the scoring server;
editing this copy changes nothing except your own understanding.
"""

import jax, jax.numpy as jnp
import numpy as np

VOCAB = 1000000
SEQ_LEN = 200
EMBED_DIM = 64
BATCH = 4096


def setup_inputs(seed: int = 0) -> dict:
    key = jax.random.key(seed)
    k1, k2, k3 = jax.random.split(key, 3)
    inputs = jax.random.randint(k1, (BATCH, SEQ_LEN), 0, VOCAB, dtype=jnp.int64 if jax.config.jax_enable_x64 else jnp.int32)
    tok_table = jax.random.normal(k2, (VOCAB, EMBED_DIM), dtype=jnp.float32) * 0.02
    pos_table = jax.random.normal(k3, (SEQ_LEN, EMBED_DIM), dtype=jnp.float32) * 0.02
    return {"inputs": inputs, "tok_table": tok_table, "pos_table": pos_table}


def reference(inputs, tok_table, pos_table):
    # TransformerEmbedding.call with use_scale=True
    positions = jnp.arange(SEQ_LEN)
    embedded_positions = jnp.take(pos_table, positions, axis=0)  # [SEQ_LEN, EMBED_DIM]
    x = jnp.take(tok_table, inputs, axis=0)  # [B, SEQ_LEN, EMBED_DIM]
    embed_scale = jnp.sqrt(jnp.asarray(EMBED_DIM, dtype=jnp.float32))
    x = x * embed_scale
    return x + embedded_positions[None, :, :]

if __name__ == "__main__":
    import jax
    _d = setup_inputs()
    print(jax.jit(kernel)(*tuple(_d.values())))

</pallas_src>

<mosaic_0001>
#map = affine_map<(d0, d1) -> (0)>
#map1 = affine_map<(d0, d1) -> (0, 0)>
module attributes {stable_mosaic.version = 14 : i64} {
  func.func @_body(%arg0: i32, %arg1: i32, %arg2: memref<819200xi32, #tpu.memory_space<hbm>>, %arg3: memref<1000000x64xf32, #tpu.memory_space<hbm>>, %arg4: memref<200x64xf32, #tpu.memory_space<hbm>>, %arg5: memref<819200x64xf32, #tpu.memory_space<hbm>>, %arg6: memref<25600xi32, #tpu.memory_space<vmem>>, %arg7: memref<200x64xf32, #tpu.memory_space<vmem>>, %arg8: memref<200x64xf32, #tpu.memory_space<vmem>>, %arg9: memref<200x64xf32, #tpu.memory_space<vmem>>, %arg10: memref<200x64xf32, #tpu.memory_space<vmem>>, %arg11: memref<200x64xf32, #tpu.memory_space<vmem>>, %arg12: memref<!tpu.dma_semaphore, #tpu.memory_space<semaphore_mem>>, %arg13: memref<!tpu.dma_semaphore, #tpu.memory_space<semaphore_mem>>, %arg14: memref<!tpu.dma_semaphore, #tpu.memory_space<semaphore_mem>>, %arg15: memref<!tpu.dma_semaphore, #tpu.memory_space<semaphore_mem>>, %arg16: memref<!tpu.dma_semaphore, #tpu.memory_space<semaphore_mem>>, %arg17: memref<!tpu.dma_semaphore, #tpu.memory_space<semaphore_mem>>, %arg18: memref<!tpu.dma_semaphore, #tpu.memory_space<semaphore_mem>>, %arg19: memref<!tpu.dma_semaphore, #tpu.memory_space<semaphore_mem>>) attributes {dimension_semantics = [#tpu.dimension_semantics<core_parallel>, #tpu.dimension_semantics<subcore_parallel>], iteration_bounds = array<i64: 2, 16>, scalar_prefetch = 0 : i64, scratch_operands = 14 : i64, tpu.core_type = #tpu.core_type<sc_vector_subcore>, window_params = [{transform_indices = #map}, {transform_indices = #map1}, {transform_indices = #map1}, {transform_indices = #map1}]} {
    %mul3A = arith.constant 2 : i32
    %mul3A_0 = arith.muli %arg1, %mul3A : i32
    %add3A = arith.addi %mul3A_0, %arg0 : i32
    %mul3A_1 = arith.constant 128 : i32
    %mul3A_2 = arith.muli %add3A, %mul3A_1 : i32
    %mul3A_3 = arith.constant 200 : i32
    %mul3A_4 = arith.muli %mul3A_2, %mul3A_3 : i32
    "tpu.region"() ({
      %run_scoped3A = tpu.sem_alloc : memref<!tpu.dma_semaphore, #tpu.memory_space<semaphore_mem>>
      %dma_start3A_91 = tpu.memref_slice %arg2[%mul3A_4] : memref<819200xi32, #tpu.memory_space<hbm>> -> memref<25600xi32, #tpu.memory_space<hbm>>
      %dma_start3A_92 = tpu.memref_slice %arg2[%mul3A_4] : memref<819200xi32, #tpu.memory_space<hbm>> -> memref<25600xi32, #tpu.memory_space<hbm>>
      tpu.enqueue_dma source(%dma_start3A_92 : memref<25600xi32, #tpu.memory_space<hbm>>) target(%arg6 : memref<25600xi32, #tpu.memory_space<vmem>>) target_semaphore(%run_scoped3A : memref<!tpu.dma_semaphore, #tpu.memory_space<semaphore_mem>>)
      %dma_wait3A_93 = tpu.memref_slice %arg2[%mul3A_4] : memref<819200xi32, #tpu.memory_space<hbm>> -> memref<25600xi32, #tpu.memory_space<hbm>>
      %dma_wait3A_94 = tpu.memref_slice %arg2[%mul3A_4] : memref<819200xi32, #tpu.memory_space<hbm>> -> memref<25600xi32, #tpu.memory_space<hbm>>
      tpu.wait_dma2 semaphore(%run_scoped3A : memref<!tpu.dma_semaphore, #tpu.memory_space<semaphore_mem>>) src(%dma_wait3A_94 : memref<25600xi32, #tpu.memory_space<hbm>>) dst(%arg6 : memref<25600xi32, #tpu.memory_space<vmem>>)
      tpu.yield
    }) : () -> ()
    "tpu.region"() ({
      %run_scoped3A = tpu.sem_alloc : memref<!tpu.dma_semaphore, #tpu.memory_space<semaphore_mem>>
      tpu.enqueue_dma source(%arg4 : memref<200x64xf32, #tpu.memory_space<hbm>>) target(%arg7 : memref<200x64xf32, #tpu.memory_space<vmem>>) target_semaphore(%run_scoped3A : memref<!tpu.dma_semaphore, #tpu.memory_space<semaphore_mem>>)
      tpu.wait_dma2 semaphore(%run_scoped3A : memref<!tpu.dma_semaphore, #tpu.memory_space<semaphore_mem>>) src(%arg4 : memref<200x64xf32, #tpu.memory_space<hbm>>) dst(%arg7 : memref<200x64xf32, #tpu.memory_space<vmem>>)
      tpu.yield
    }) : () -> ()
    %multiple_of3A = arith.constant 0 : i32
    %multiple_of3A_5 = tpu.assume_multiple %multiple_of3A, 8 : i32
    %add3A_6 = arith.constant 0 : i32
    %add3A_7 = arith.addi %multiple_of3A_5, %add3A_6 : i32
    %dma_start3A = arith.constant 0 : i32
    %dma_start3A_8 = arith.constant 0 : i32
    %dma_start3A_9 = tpu.memref_slice %arg8[%dma_start3A, %dma_start3A_8] : memref<200x64xf32, #tpu.memory_space<vmem>> -> memref<104x64xf32, #tpu.memory_space<vmem>>
    %dma_start3A_10 = tpu.memref_slice %arg6[%add3A_7] : memref<25600xi32, #tpu.memory_space<vmem>> -> memref<104xi32, #tpu.memory_space<vmem>>
    %dma_start3A_11 = arith.constant 0 : i32
    %dma_start3A_12 = arith.constant 0 : i32
    %dma_start3A_13 = tpu.memref_slice %arg3[%dma_start3A_11, %dma_start3A_12] : memref<1000000x64xf32, #tpu.memory_space<hbm>> -> memref<1000000x64xf32, #tpu.memory_space<hbm>>
    tpu.enqueue_indirect_dma source(%dma_start3A_13 : memref<1000000x64xf32, #tpu.memory_space<hbm>>) target(%dma_start3A_9 : memref<104x64xf32, #tpu.memory_space<vmem>>) offsets(%dma_start3A_10 : memref<104xi32, #tpu.memory_space<vmem>>) semaphore(%arg12 : memref<!tpu.dma_semaphore, #tpu.memory_space<semaphore_mem>>)
    %add3A_14 = arith.constant 104 : i32
    %add3A_15 = arith.addi %multiple_of3A_5, %add3A_14 : i32
    %dma_start3A_16 = arith.constant 104 : i32
    %dma_start3A_17 = arith.constant 0 : i32
    %dma_start3A_18 = tpu.memref_slice %arg8[%dma_start3A_16, %dma_start3A_17] : memref<200x64xf32, #tpu.memory_space<vmem>> -> memref<96x64xf32, #tpu.memory_space<vmem>>
    %dma_start3A_19 = tpu.memref_slice %arg6[%add3A_15] : memref<25600xi32, #tpu.memory_space<vmem>> -> memref<96xi32, #tpu.memory_space<vmem>>
    %dma_start3A_20 = arith.constant 0 : i32
    %dma_start3A_21 = arith.constant 0 : i32
    %dma_start3A_22 = tpu.memref_slice %arg3[%dma_start3A_20, %dma_start3A_21] : memref<1000000x64xf32, #tpu.memory_space<hbm>> -> memref<1000000x64xf32, #tpu.memory_space<hbm>>
    tpu.enqueue_indirect_dma source(%dma_start3A_22 : memref<1000000x64xf32, #tpu.memory_space<hbm>>) target(%dma_start3A_18 : memref<96x64xf32, #tpu.memory_space<vmem>>) offsets(%dma_start3A_19 : memref<96xi32, #tpu.memory_space<vmem>>) semaphore(%arg12 : memref<!tpu.dma_semaphore, #tpu.memory_space<semaphore_mem>>)
    %multiple_of3A_23 = arith.constant 200 : i32
    %multiple_of3A_24 = tpu.assume_multiple %multiple_of3A_23, 8 : i32
    %add3A_25 = arith.constant 0 : i32
    %add3A_26 = arith.addi %multiple_of3A_24, %add3A_25 : i32
    %dma_start3A_27 = arith.constant 0 : i32
    %dma_start3A_28 = arith.constant 0 : i32
    %dma_start3A_29 = tpu.memref_slice %arg9[%dma_start3A_27, %dma_start3A_28] : memref<200x64xf32, #tpu.memory_space<vmem>> -> memref<104x64xf32, #tpu.memory_space<vmem>>
    %dma_start3A_30 = tpu.memref_slice %arg6[%add3A_26] : memref<25600xi32, #tpu.memory_space<vmem>> -> memref<104xi32, #tpu.memory_space<vmem>>
    %dma_start3A_31 = arith.constant 0 : i32
    %dma_start3A_32 = arith.constant 0 : i32
    %dma_start3A_33 = tpu.memref_slice %arg3[%dma_start3A_31, %dma_start3A_32] : memref<1000000x64xf32, #tpu.memory_space<hbm>> -> memref<1000000x64xf32, #tpu.memory_space<hbm>>
    tpu.enqueue_indirect_dma source(%dma_start3A_33 : memref<1000000x64xf32, #tpu.memory_space<hbm>>) target(%dma_start3A_29 : memref<104x64xf32, #tpu.memory_space<vmem>>) offsets(%dma_start3A_30 : memref<104xi32, #tpu.memory_space<vmem>>) semaphore(%arg13 : memref<!tpu.dma_semaphore, #tpu.memory_space<semaphore_mem>>)
    %add3A_34 = arith.constant 104 : i32
    %add3A_35 = arith.addi %multiple_of3A_24, %add3A_34 : i32
    %dma_start3A_36 = arith.constant 104 : i32
    %dma_start3A_37 = arith.constant 0 : i32
    %dma_start3A_38 = tpu.memref_slice %arg9[%dma_start3A_36, %dma_start3A_37] : memref<200x64xf32, #tpu.memory_space<vmem>> -> memref<96x64xf32, #tpu.memory_space<vmem>>
    %dma_start3A_39 = tpu.memref_slice %arg6[%add3A_35] : memref<25600xi32, #tpu.memory_space<vmem>> -> memref<96xi32, #tpu.memory_space<vmem>>
    %dma_start3A_40 = arith.constant 0 : i32
    %dma_start3A_41 = arith.constant 0 : i32
    %dma_start3A_42 = tpu.memref_slice %arg3[%dma_start3A_40, %dma_start3A_41] : memref<1000000x64xf32, #tpu.memory_space<hbm>> -> memref<1000000x64xf32, #tpu.memory_space<hbm>>
    tpu.enqueue_indirect_dma source(%dma_start3A_42 : memref<1000000x64xf32, #tpu.memory_space<hbm>>) target(%dma_start3A_38 : memref<96x64xf32, #tpu.memory_space<vmem>>) offsets(%dma_start3A_39 : memref<96xi32, #tpu.memory_space<vmem>>) semaphore(%arg13 : memref<!tpu.dma_semaphore, #tpu.memory_space<semaphore_mem>>)
    %scan3A = arith.constant 0 : i32
    %scan3A_43 = arith.constant 0 : i32
    %scan3A_44 = arith.constant 32 : i32
    %scan3A_45 = arith.addi %scan3A_43, %scan3A_44 : i32
    %scan3A_46 = arith.constant 1 : i32
    scf.for %scan3A_91 = %scan3A_43 to %scan3A_45 step %scan3A_46  : i32 {
      %mul3A_92 = arith.constant 4 : i32
      %mul3A_93 = arith.muli %scan3A_91, %mul3A_92 : i32
      %add3A_94 = arith.constant 0 : i32
      %add3A_95 = arith.addi %mul3A_93, %add3A_94 : i32
      %gt3A = arith.constant 0 : i32
      %gt3A_96 = arith.cmpi sgt, %scan3A_91, %gt3A : i32
      %convert_element_type3A = arith.extui %gt3A_96 : i1 to i32
      %cond3A = arith.constant 0 : i32
      %cond3A_97 = arith.cmpi ne, %convert_element_type3A, %cond3A : i32
      scf.if %cond3A_97 {
        %sub3A = arith.constant 2 : i32
        %sub3A_268 = arith.subi %add3A_95, %sub3A : i32
        %mul3A_269 = arith.constant 128 : i32
        %mul3A_270 = arith.muli %add3A, %mul3A_269 : i32
        %add3A_271 = arith.addi %mul3A_270, %sub3A_268 : i32
        %mul3A_272 = arith.constant 200 : i32
        %mul3A_273 = arith.muli %add3A_271, %mul3A_272 : i32
        %multiple_of3A_274 = tpu.assume_multiple %mul3A_273, 8 : i32
        %dma_wait3A_275 = arith.constant 0 : i32
        %dma_wait3A_276 = tpu.memref_slice %arg5[%multiple_of3A_274, %dma_wait3A_275] : memref<819200x64xf32, #tpu.memory_space<hbm>> -> memref<200x64xf32, #tpu.memory_space<hbm>>
        %dma_wait3A_277 = arith.constant 0 : i32
        %dma_wait3A_278 = tpu.memref_slice %arg5[%multiple_of3A_274, %dma_wait3A_277] : memref<819200x64xf32, #tpu.memory_space<hbm>> -> memref<200x64xf32, #tpu.memory_space<hbm>>
        tpu.wait_dma2 semaphore(%arg18 : memref<!tpu.dma_semaphore, #tpu.memory_space<semaphore_mem>>) src(%arg10 : memref<200x64xf32, #tpu.memory_space<vmem>>) dst(%dma_wait3A_278 : memref<200x64xf32, #tpu.memory_space<hbm>>)
        %add3A_279 = arith.constant 2 : i32
        %add3A_280 = arith.addi %add3A_95, %add3A_279 : i32
        %mul3A_281 = arith.constant 200 : i32
        %mul3A_282 = arith.muli %add3A_280, %mul3A_281 : i32
        %multiple_of3A_283 = tpu.assume_multiple %mul3A_282, 8 : i32
        %add3A_284 = arith.constant 0 : i32
        %add3A_285 = arith.addi %multiple_of3A_283, %add3A_284 : i32
        %dma_start3A_286 = arith.constant 0 : i32
        %dma_start3A_287 = arith.constant 0 : i32
        %dma_start3A_288 = tpu.memref_slice %arg10[%dma_start3A_286, %dma_start3A_287] : memref<200x64xf32, #tpu.memory_space<vmem>> -> memref<104x64xf32, #tpu.memory_space<vmem>>
        %dma_start3A_289 = tpu.memref_slice %arg6[%add3A_285] : memref<25600xi32, #tpu.memory_space<vmem>> -> memref<104xi32, #tpu.memory_space<vmem>>
        %dma_start3A_290 = arith.constant 0 : i32
        %dma_start3A_291 = arith.constant 0 : i32
        %dma_start3A_292 = tpu.memref_slice %arg3[%dma_start3A_290, %dma_start3A_291] : memref<1000000x64xf32, #tpu.memory_space<hbm>> -> memref<1000000x64xf32, #tpu.memory_space<hbm>>
        tpu.enqueue_indirect_dma source(%dma_start3A_292 : memref<1000000x64xf32, #tpu.memory_space<hbm>>) target(%dma_start3A_288 : memref<104x64xf32, #tpu.memory_space<vmem>>) offsets(%dma_start3A_289 : memref<104xi32, #tpu.memory_space<vmem>>) semaphore(%arg14 : memref<!tpu.dma_semaphore, #tpu.memory_space<semaphore_mem>>)
        %add3A_293 = arith.constant 104 : i32
        %add3A_294 = arith.addi %multiple_of3A_283, %add3A_293 : i32
        %dma_start3A_295 = arith.constant 104 : i32
        %dma_start3A_296 = arith.constant 0 : i32
        %dma_start3A_297 = tpu.memref_slice %arg10[%dma_start3A_295, %dma_start3A_296] : memref<200x64xf32, #tpu.memory_space<vmem>> -> memref<96x64xf32, #tpu.memory_space<vmem>>
        %dma_start3A_298 = tpu.memref_slice %arg6[%add3A_294] : memref<25600xi32, #tpu.memory_space<vmem>> -> memref<96xi32, #tpu.memory_space<vmem>>
        %dma_start3A_299 = arith.constant 0 : i32
        %dma_start3A_300 = arith.constant 0 : i32
        %dma_start3A_301 = tpu.memref_slice %arg3[%dma_start3A_299, %dma_start3A_300] : memref<1000000x64xf32, #tpu.memory_space<hbm>> -> memref<1000000x64xf32, #tpu.memory_space<hbm>>
        tpu.enqueue_indirect_dma source(%dma_start3A_301 : memref<1000000x64xf32, #tpu.memory_space<hbm>>) target(%dma_start3A_297 : memref<96x64xf32, #tpu.memory_space<vmem>>) offsets(%dma_start3A_298 : memref<96xi32, #tpu.memory_space<vmem>>) semaphore(%arg14 : memref<!tpu.dma_semaphore, #tpu.memory_space<semaphore_mem>>)
      } else {
      }
      %eq3A = arith.constant 0 : i32
      %eq3A_98 = arith.cmpi eq, %scan3A_91, %eq3A : i32
      %convert_element_type3A_99 = arith.extui %eq3A_98 : i1 to i32
      %cond3A_100 = arith.constant 0 : i32
      %cond3A_101 = arith.cmpi ne, %convert_element_type3A_99, %cond3A_100 : i32
      scf.if %cond3A_101 {
        %add3A_268 = arith.constant 2 : i32
        %add3A_269 = arith.addi %add3A_95, %add3A_268 : i32
        %mul3A_270 = arith.constant 200 : i32
        %mul3A_271 = arith.muli %add3A_269, %mul3A_270 : i32
        %multiple_of3A_272 = tpu.assume_multiple %mul3A_271, 8 : i32
        %add3A_273 = arith.constant 0 : i32
        %add3A_274 = arith.addi %multiple_of3A_272, %add3A_273 : i32
        %dma_start3A_275 = arith.constant 0 : i32
        %dma_start3A_276 = arith.constant 0 : i32
        %dma_start3A_277 = tpu.memref_slice %arg10[%dma_start3A_275, %dma_start3A_276] : memref<200x64xf32, #tpu.memory_space<vmem>> -> memref<104x64xf32, #tpu.memory_space<vmem>>
        %dma_start3A_278 = tpu.memref_slice %arg6[%add3A_274] : memref<25600xi32, #tpu.memory_space<vmem>> -> memref<104xi32, #tpu.memory_space<vmem>>
        %dma_start3A_279 = arith.constant 0 : i32
        %dma_start3A_280 = arith.constant 0 : i32
        %dma_start3A_281 = tpu.memref_slice %arg3[%dma_start3A_279, %dma_start3A_280] : memref<1000000x64xf32, #tpu.memory_space<hbm>> -> memref<1000000x64xf32, #tpu.memory_space<hbm>>
        tpu.enqueue_indirect_dma source(%dma_start3A_281 : memref<1000000x64xf32, #tpu.memory_space<hbm>>) target(%dma_start3A_277 : memref<104x64xf32, #tpu.memory_space<vmem>>) offsets(%dma_start3A_278 : memref<104xi32, #tpu.memory_space<vmem>>) semaphore(%arg14 : memref<!tpu.dma_semaphore, #tpu.memory_space<semaphore_mem>>)
        %add3A_282 = arith.constant 104 : i32
        %add3A_283 = arith.addi %multiple_of3A_272, %add3A_282 : i32
        %dma_start3A_284 = arith.constant 104 : i32
        %dma_start3A_285 = arith.constant 0 : i32
        %dma_start3A_286 = tpu.memref_slice %arg10[%dma_start3A_284, %dma_start3A_285] : memref<200x64xf32, #tpu.memory_space<vmem>> -> memref<96x64xf32, #tpu.memory_space<vmem>>
        %dma_start3A_287 = tpu.memref_slice %arg6[%add3A_283] : memref<25600xi32, #tpu.memory_space<vmem>> -> memref<96xi32, #tpu.memory_space<vmem>>
        %dma_start3A_288 = arith.constant 0 : i32
        %dma_start3A_289 = arith.constant 0 : i32
        %dma_start3A_290 = tpu.memref_slice %arg3[%dma_start3A_288, %dma_start3A_289] : memref<1000000x64xf32, #tpu.memory_space<hbm>> -> memref<1000000x64xf32, #tpu.memory_space<hbm>>
        tpu.enqueue_indirect_dma source(%dma_start3A_290 : memref<1000000x64xf32, #tpu.memory_space<hbm>>) target(%dma_start3A_286 : memref<96x64xf32, #tpu.memory_space<vmem>>) offsets(%dma_start3A_287 : memref<96xi32, #tpu.memory_space<vmem>>) semaphore(%arg14 : memref<!tpu.dma_semaphore, #tpu.memory_space<semaphore_mem>>)
      } else {
      }
      %mul3A_102 = arith.constant 200 : i32
      %mul3A_103 = arith.muli %add3A_95, %mul3A_102 : i32
      %multiple_of3A_104 = tpu.assume_multiple %mul3A_103, 8 : i32
      %add3A_105 = arith.constant 0 : i32
      %add3A_106 = arith.addi %multiple_of3A_104, %add3A_105 : i32
      %dma_wait3A_107 = arith.constant 0 : i32
      %dma_wait3A_108 = arith.constant 0 : i32
      %dma_wait3A_109 = tpu.memref_slice %arg8[%dma_wait3A_107, %dma_wait3A_108] : memref<200x64xf32, #tpu.memory_space<vmem>> -> memref<104x64xf32, #tpu.memory_space<vmem>>
      %dma_wait3A_110 = tpu.memref_slice %arg6[%add3A_106] : memref<25600xi32, #tpu.memory_space<vmem>> -> memref<104xi32, #tpu.memory_space<vmem>>
      %dma_wait3A_111 = arith.constant 0 : i32
      %dma_wait3A_112 = arith.constant 0 : i32
      %dma_wait3A_113 = tpu.memref_slice %arg3[%dma_wait3A_111, %dma_wait3A_112] : memref<1000000x64xf32, #tpu.memory_space<hbm>> -> memref<1000000x64xf32, #tpu.memory_space<hbm>>
      tpu.wait_indirect_dma semaphore(%arg12 : memref<!tpu.dma_semaphore, #tpu.memory_space<semaphore_mem>>) src(%dma_wait3A_113 : memref<1000000x64xf32, #tpu.memory_space<hbm>>) dst(%dma_wait3A_109 : memref<104x64xf32, #tpu.memory_space<vmem>>)
      %add3A_114 = arith.constant 104 : i32
      %add3A_115 = arith.addi %multiple_of3A_104, %add3A_114 : i32
      %dma_wait3A_116 = arith.constant 104 : i32
      %dma_wait3A_117 = arith.constant 0 : i32
      %dma_wait3A_118 = tpu.memref_slice %arg8[%dma_wait3A_116, %dma_wait3A_117] : memref<200x64xf32, #tpu.memory_space<vmem>> -> memref<96x64xf32, #tpu.memory_space<vmem>>
      %dma_wait3A_119 = tpu.memref_slice %arg6[%add3A_115] : memref<25600xi32, #tpu.memory_space<vmem>> -> memref<96xi32, #tpu.memory_space<vmem>>
      %dma_wait3A_120 = arith.constant 0 : i32
      %dma_wait3A_121 = arith.constant 0 : i32
      %dma_wait3A_122 = tpu.memref_slice %arg3[%dma_wait3A_120, %dma_wait3A_121] : memref<1000000x64xf32, #tpu.memory_space<hbm>> -> memref<1000000x64xf32, #tpu.memory_space<hbm>>
      tpu.wait_indirect_dma semaphore(%arg12 : memref<!tpu.dma_semaphore, #tpu.memory_space<semaphore_mem>>) src(%dma_wait3A_122 : memref<1000000x64xf32, #tpu.memory_space<hbm>>) dst(%dma_wait3A_118 : memref<96x64xf32, #tpu.memory_space<vmem>>)
      %parallel_loop3A = arith.constant 0 : i32
      %parallel_loop3A_123 = arith.constant 200 : i32
      %parallel_loop3A_124 = arith.constant 1 : i32
      scf.for %parallel_loop3A_268 = %parallel_loop3A to %parallel_loop3A_123 step %parallel_loop3A_124  : i32 {
        %parallel_loop3A_269 = arith.index_cast %parallel_loop3A_268 : i32 to index
        %parallel_loop3A_270 = arith.constant 0 : index
        %parallel_loop3A_271 = tpu.vector_load %arg8[%parallel_loop3A_269, %parallel_loop3A_270] {strides = array<i32>} : memref<200x64xf32, #tpu.memory_space<vmem>>, vector<1x16xf32>,
        %parallel_loop3A_272 = vector.shape_cast %parallel_loop3A_271 : vector<1x16xf32> to vector<16xf32>
        %parallel_loop3A_273 = arith.constant 8.000000e+00 : f32
        %parallel_loop3A_274 = vector.broadcast %parallel_loop3A_273 : f32 to vector<16xf32>
        %parallel_loop3A_275 = arith.mulf %parallel_loop3A_272, %parallel_loop3A_274 : vector<16xf32>
        %parallel_loop3A_276 = arith.index_cast %parallel_loop3A_268 : i32 to index
        %parallel_loop3A_277 = arith.constant 0 : index
        %parallel_loop3A_278 = tpu.vector_load %arg7[%parallel_loop3A_276, %parallel_loop3A_277] {strides = array<i32>} : memref<200x64xf32, #tpu.memory_space<vmem>>, vector<1x16xf32>,
        %parallel_loop3A_279 = vector.shape_cast %parallel_loop3A_278 : vector<1x16xf32> to vector<16xf32>
        %parallel_loop3A_280 = arith.addf %parallel_loop3A_275, %parallel_loop3A_279 : vector<16xf32>
        %parallel_loop3A_281 = arith.index_cast %parallel_loop3A_268 : i32 to index
        %parallel_loop3A_282 = arith.constant 0 : index
        %parallel_loop3A_283 = tpu.vector_load %arg8[%parallel_loop3A_281, %parallel_loop3A_282] {strides = array<i32>} : memref<200x64xf32, #tpu.memory_space<vmem>>, vector<1x16xf32>,
        %parallel_loop3A_284 = vector.shape_cast %parallel_loop3A_283 : vector<1x16xf32> to vector<16xf32>
        %parallel_loop3A_285 = vector.shape_cast %parallel_loop3A_280 : vector<16xf32> to vector<1x16xf32>
        tpu.vector_store %arg8[%parallel_loop3A_281, %parallel_loop3A_282], %parallel_loop3A_285 {strides = array<i32>} : memref<200x64xf32, #tpu.memory_space<vmem>>, vector<1x16xf32>,
        %parallel_loop3A_286 = arith.index_cast %parallel_loop3A_268 : i32 to index
        %parallel_loop3A_287 = arith.constant 16 : index
        %parallel_loop3A_288 = tpu.vector_load %arg8[%parallel_loop3A_286, %parallel_loop3A_287] {strides = array<i32>} : memref<200x64xf32, #tpu.memory_space<vmem>>, vector<1x16xf32>,
        %parallel_loop3A_289 = vector.shape_cast %parallel_loop3A_288 : vector<1x16xf32> to vector<16xf32>
        %parallel_loop3A_290 = arith.constant 8.000000e+00 : f32
        %parallel_loop3A_291 = vector.broadcast %parallel_loop3A_290 : f32 to vector<16xf32>
        %parallel_loop3A_292 = arith.mulf %parallel_loop3A_289, %parallel_loop3A_291 : vector<16xf32>
        %parallel_loop3A_293 = arith.index_cast %parallel_loop3A_268 : i32 to index
        %parallel_loop3A_294 = arith.constant 16 : index
        %parallel_loop3A_295 = tpu.vector_load %arg7[%parallel_loop3A_293, %parallel_loop3A_294] {strides = array<i32>} : memref<200x64xf32, #tpu.memory_space<vmem>>, vector<1x16xf32>,
        %parallel_loop3A_296 = vector.shape_cast %parallel_loop3A_295 : vector<1x16xf32> to vector<16xf32>
        %parallel_loop3A_297 = arith.addf %parallel_loop3A_292, %parallel_loop3A_296 : vector<16xf32>
        %parallel_loop3A_298 = arith.index_cast %parallel_loop3A_268 : i32 to index
        %parallel_loop3A_299 = arith.constant 16 : index
        %parallel_loop3A_300 = tpu.vector_load %arg8[%parallel_loop3A_298, %parallel_loop3A_299] {strides = array<i32>} : memref<200x64xf32, #tpu.memory_space<vmem>>, vector<1x16xf32>,
        %parallel_loop3A_301 = vector.shape_cast %parallel_loop3A_300 : vector<1x16xf32> to vector<16xf32>
        %parallel_loop3A_302 = vector.shape_cast %parallel_loop3A_297 : vector<16xf32> to vector<1x16xf32>
        tpu.vector_store %arg8[%parallel_loop3A_298, %parallel_loop3A_299], %parallel_loop3A_302 {strides = array<i32>} : memref<200x64xf32, #tpu.memory_space<vmem>>, vector<1x16xf32>,
        %parallel_loop3A_303 = arith.index_cast %parallel_loop3A_268 : i32 to index
        %parallel_loop3A_304 = arith.constant 32 : index
        %parallel_loop3A_305 = tpu.vector_load %arg8[%parallel_loop3A_303, %parallel_loop3A_304] {strides = array<i32>} : memref<200x64xf32, #tpu.memory_space<vmem>>, vector<1x16xf32>,
        %parallel_loop3A_306 = vector.shape_cast %parallel_loop3A_305 : vector<1x16xf32> to vector<16xf32>
        %parallel_loop3A_307 = arith.constant 8.000000e+00 : f32
        %parallel_loop3A_308 = vector.broadcast %parallel_loop3A_307 : f32 to vector<16xf32>
        %parallel_loop3A_309 = arith.mulf %parallel_loop3A_306, %parallel_loop3A_308 : vector<16xf32>
        %parallel_loop3A_310 = arith.index_cast %parallel_loop3A_268 : i32 to index
        %parallel_loop3A_311 = arith.constant 32 : index
        %parallel_loop3A_312 = tpu.vector_load %arg7[%parallel_loop3A_310, %parallel_loop3A_311] {strides = array<i32>} : memref<200x64xf32, #tpu.memory_space<vmem>>, vector<1x16xf32>,
        %parallel_loop3A_313 = vector.shape_cast %parallel_loop3A_312 : vector<1x16xf32> to vector<16xf32>
        %parallel_loop3A_314 = arith.addf %parallel_loop3A_309, %parallel_loop3A_313 : vector<16xf32>
        %parallel_loop3A_315 = arith.index_cast %parallel_loop3A_268 : i32 to index
        %parallel_loop3A_316 = arith.constant 32 : index
        %parallel_loop3A_317 = tpu.vector_load %arg8[%parallel_loop3A_315, %parallel_loop3A_316] {strides = array<i32>} : memref<200x64xf32, #tpu.memory_space<vmem>>, vector<1x16xf32>,
        %parallel_loop3A_318 = vector.shape_cast %parallel_loop3A_317 : vector<1x16xf32> to vector<16xf32>
        %parallel_loop3A_319 = vector.shape_cast %parallel_loop3A_314 : vector<16xf32> to vector<1x16xf32>
        tpu.vector_store %arg8[%parallel_loop3A_315, %parallel_loop3A_316], %parallel_loop3A_319 {strides = array<i32>} : memref<200x64xf32, #tpu.memory_space<vmem>>, vector<1x16xf32>,
        %parallel_loop3A_320 = arith.index_cast %parallel_loop3A_268 : i32 to index
        %parallel_loop3A_321 = arith.constant 48 : index
        %parallel_loop3A_322 = tpu.vector_load %arg8[%parallel_loop3A_320, %parallel_loop3A_321] {strides = array<i32>} : memref<200x64xf32, #tpu.memory_space<vmem>>, vector<1x16xf32>,
        %parallel_loop3A_323 = vector.shape_cast %parallel_loop3A_322 : vector<1x16xf32> to vector<16xf32>
        %parallel_loop3A_324 = arith.constant 8.000000e+00 : f32
        %parallel_loop3A_325 = vector.broadcast %parallel_loop3A_324 : f32 to vector<16xf32>
        %parallel_loop3A_326 = arith.mulf %parallel_loop3A_323, %parallel_loop3A_325 : vector<16xf32>
        %parallel_loop3A_327 = arith.index_cast %parallel_loop3A_268 : i32 to index
        %parallel_loop3A_328 = arith.constant 48 : index
        %parallel_loop3A_329 = tpu.vector_load %arg7[%parallel_loop3A_327, %parallel_loop3A_328] {strides = array<i32>} : memref<200x64xf32, #tpu.memory_space<vmem>>, vector<1x16xf32>,
        %parallel_loop3A_330 = vector.shape_cast %parallel_loop3A_329 : vector<1x16xf32> to vector<16xf32>
        %parallel_loop3A_331 = arith.addf %parallel_loop3A_326, %parallel_loop3A_330 : vector<16xf32>
        %parallel_loop3A_332 = arith.index_cast %parallel_loop3A_268 : i32 to index
        %parallel_loop3A_333 = arith.constant 48 : index
        %parallel_loop3A_334 = tpu.vector_load %arg8[%parallel_loop3A_332, %parallel_loop3A_333] {strides = array<i32>} : memref<200x64xf32, #tpu.memory_space<vmem>>, vector<1x16xf32>,
        %parallel_loop3A_335 = vector.shape_cast %parallel_loop3A_334 : vector<1x16xf32> to vector<16xf32>
        %parallel_loop3A_336 = vector.shape_cast %parallel_loop3A_331 : vector<16xf32> to vector<1x16xf32>
        tpu.vector_store %arg8[%parallel_loop3A_332, %parallel_loop3A_333], %parallel_loop3A_336 {strides = array<i32>} : memref<200x64xf32, #tpu.memory_space<vmem>>, vector<1x16xf32>,
      } {sc.loop_unroll_factor = 4 : i64, sc.parallel_access}
      %mul3A_125 = arith.constant 128 : i32
      %mul3A_126 = arith.muli %add3A, %mul3A_125 : i32
      %add3A_127 = arith.addi %mul3A_126, %add3A_95 : i32
      %mul3A_128 = arith.constant 200 : i32
      %mul3A_129 = arith.muli %add3A_127, %mul3A_128 : i32
      %multiple_of3A_130 = tpu.assume_multiple %mul3A_129, 8 : i32
      %dma_start3A_131 = arith.constant 0 : i32
      %dma_start3A_132 = tpu.memref_slice %arg5[%multiple_of3A_130, %dma_start3A_131] : memref<819200x64xf32, #tpu.memory_space<hbm>> -> memref<200x64xf32, #tpu.memory_space<hbm>>
      %dma_start3A_133 = arith.constant 0 : i32
      %dma_start3A_134 = tpu.memref_slice %arg5[%multiple_of3A_130, %dma_start3A_133] : memref<819200x64xf32, #tpu.memory_space<hbm>> -> memref<200x64xf32, #tpu.memory_space<hbm>>
      tpu.enqueue_dma source(%arg8 : memref<200x64xf32, #tpu.memory_space<vmem>>) target(%dma_start3A_134 : memref<200x64xf32, #tpu.memory_space<hbm>>) target_semaphore(%arg16 : memref<!tpu.dma_semaphore, #tpu.memory_space<semaphore_mem>>)
      %mul3A_135 = arith.constant 4 : i32
      %mul3A_136 = arith.muli %scan3A_91, %mul3A_135 : i32
      %add3A_137 = arith.constant 1 : i32
      %add3A_138 = arith.addi %mul3A_136, %add3A_137 : i32
      %gt3A_139 = arith.constant 0 : i32
      %gt3A_140 = arith.cmpi sgt, %scan3A_91, %gt3A_139 : i32
      %convert_element_type3A_141 = arith.extui %gt3A_140 : i1 to i32
      %cond3A_142 = arith.constant 0 : i32
      %cond3A_143 = arith.cmpi ne, %convert_element_type3A_141, %cond3A_142 : i32
      scf.if %cond3A_143 {
        %sub3A = arith.constant 2 : i32
        %sub3A_268 = arith.subi %add3A_138, %sub3A : i32
        %mul3A_269 = arith.constant 128 : i32
        %mul3A_270 = arith.muli %add3A, %mul3A_269 : i32
        %add3A_271 = arith.addi %mul3A_270, %sub3A_268 : i32
        %mul3A_272 = arith.constant 200 : i32
        %mul3A_273 = arith.muli %add3A_271, %mul3A_272 : i32
        %multiple_of3A_274 = tpu.assume_multiple %mul3A_273, 8 : i32
        %dma_wait3A_275 = arith.constant 0 : i32
        %dma_wait3A_276 = tpu.memref_slice %arg5[%multiple_of3A_274, %dma_wait3A_275] : memref<819200x64xf32, #tpu.memory_space<hbm>> -> memref<200x64xf32, #tpu.memory_space<hbm>>
        %dma_wait3A_277 = arith.constant 0 : i32
        %dma_wait3A_278 = tpu.memref_slice %arg5[%multiple_of3A_274, %dma_wait3A_277] : memref<819200x64xf32, #tpu.memory_space<hbm>> -> memref<200x64xf32, #tpu.memory_space<hbm>>
        tpu.wait_dma2 semaphore(%arg19 : memref<!tpu.dma_semaphore, #tpu.memory_space<semaphore_mem>>) src(%arg11 : memref<200x64xf32, #tpu.memory_space<vmem>>) dst(%dma_wait3A_278 : memref<200x64xf32, #tpu.memory_space<hbm>>)
        %add3A_279 = arith.constant 2 : i32
        %add3A_280 = arith.addi %add3A_138, %add3A_279 : i32
        %mul3A_281 = arith.constant 200 : i32
        %mul3A_282 = arith.muli %add3A_280, %mul3A_281 : i32
        %multiple_of3A_283 = tpu.assume_multiple %mul3A_282, 8 : i32
        %add3A_284 = arith.constant 0 : i32
        %add3A_285 = arith.addi %multiple_of3A_283, %add3A_284 : i32
        %dma_start3A_286 = arith.constant 0 : i32
        %dma_start3A_287 = arith.constant 0 : i32
        %dma_start3A_288 = tpu.memref_slice %arg11[%dma_start3A_286, %dma_start3A_287] : memref<200x64xf32, #tpu.memory_space<vmem>> -> memref<104x64xf32, #tpu.memory_space<vmem>>
        %dma_start3A_289 = tpu.memref_slice %arg6[%add3A_285] : memref<25600xi32, #tpu.memory_space<vmem>> -> memref<104xi32, #tpu.memory_space<vmem>>
        %dma_start3A_290 = arith.constant 0 : i32
        %dma_start3A_291 = arith.constant 0 : i32
        %dma_start3A_292 = tpu.memref_slice %arg3[%dma_start3A_290, %dma_start3A_291] : memref<1000000x64xf32, #tpu.memory_space<hbm>> -> memref<1000000x64xf32, #tpu.memory_space<hbm>>
        tpu.enqueue_indirect_dma source(%dma_start3A_292 : memref<1000000x64xf32, #tpu.memory_space<hbm>>) target(%dma_start3A_288 : memref<104x64xf32, #tpu.memory_space<vmem>>) offsets(%dma_start3A_289 : memref<104xi32, #tpu.memory_space<vmem>>) semaphore(%arg15 : memref<!tpu.dma_semaphore, #tpu.memory_space<semaphore_mem>>)
        %add3A_293 = arith.constant 104 : i32
        %add3A_294 = arith.addi %multiple_of3A_283, %add3A_293 : i32
        %dma_start3A_295 = arith.constant 104 : i32
        %dma_start3A_296 = arith.constant 0 : i32
        %dma_start3A_297 = tpu.memref_slice %arg11[%dma_start3A_295, %dma_start3A_296] : memref<200x64xf32, #tpu.memory_space<vmem>> -> memref<96x64xf32, #tpu.memory_space<vmem>>
        %dma_start3A_298 = tpu.memref_slice %arg6[%add3A_294] : memref<25600xi32, #tpu.memory_space<vmem>> -> memref<96xi32, #tpu.memory_space<vmem>>
        %dma_start3A_299 = arith.constant 0 : i32
        %dma_start3A_300 = arith.constant 0 : i32
        %dma_start3A_301 = tpu.memref_slice %arg3[%dma_start3A_299, %dma_start3A_300] : memref<1000000x64xf32, #tpu.memory_space<hbm>> -> memref<1000000x64xf32, #tpu.memory_space<hbm>>
        tpu.enqueue_indirect_dma source(%dma_start3A_301 : memref<1000000x64xf32, #tpu.memory_space<hbm>>) target(%dma_start3A_297 : memref<96x64xf32, #tpu.memory_space<vmem>>) offsets(%dma_start3A_298 : memref<96xi32, #tpu.memory_space<vmem>>) semaphore(%arg15 : memref<!tpu.dma_semaphore, #tpu.memory_space<semaphore_mem>>)
      } else {
      }
      %eq3A_144 = arith.constant 0 : i32
      %eq3A_145 = arith.cmpi eq, %scan3A_91, %eq3A_144 : i32
      %convert_element_type3A_146 = arith.extui %eq3A_145 : i1 to i32
      %cond3A_147 = arith.constant 0 : i32
      %cond3A_148 = arith.cmpi ne, %convert_element_type3A_146, %cond3A_147 : i32
      scf.if %cond3A_148 {
        %add3A_268 = arith.constant 2 : i32
        %add3A_269 = arith.addi %add3A_138, %add3A_268 : i32
        %mul3A_270 = arith.constant 200 : i32
        %mul3A_271 = arith.muli %add3A_269, %mul3A_270 : i32
        %multiple_of3A_272 = tpu.assume_multiple %mul3A_271, 8 : i32
        %add3A_273 = arith.constant 0 : i32
        %add3A_274 = arith.addi %multiple_of3A_272, %add3A_273 : i32
        %dma_start3A_275 = arith.constant 0 : i32
        %dma_start3A_276 = arith.constant 0 : i32
        %dma_start3A_277 = tpu.memref_slice %arg11[%dma_start3A_275, %dma_start3A_276] : memref<200x64xf32, #tpu.memory_space<vmem>> -> memref<104x64xf32, #tpu.memory_space<vmem>>
        %dma_start3A_278 = tpu.memref_slice %arg6[%add3A_274] : memref<25600xi32, #tpu.memory_space<vmem>> -> memref<104xi32, #tpu.memory_space<vmem>>
        %dma_start3A_279 = arith.constant 0 : i32
        %dma_start3A_280 = arith.constant 0 : i32
        %dma_start3A_281 = tpu.memref_slice %arg3[%dma_start3A_279, %dma_start3A_280] : memref<1000000x64xf32, #tpu.memory_space<hbm>> -> memref<1000000x64xf32, #tpu.memory_space<hbm>>
        tpu.enqueue_indirect_dma source(%dma_start3A_281 : memref<1000000x64xf32, #tpu.memory_space<hbm>>) target(%dma_start3A_277 : memref<104x64xf32, #tpu.memory_space<vmem>>) offsets(%dma_start3A_278 : memref<104xi32, #tpu.memory_space<vmem>>) semaphore(%arg15 : memref<!tpu.dma_semaphore, #tpu.memory_space<semaphore_mem>>)
        %add3A_282 = arith.constant 104 : i32
        %add3A_283 = arith.addi %multiple_of3A_272, %add3A_282 : i32
        %dma_start3A_284 = arith.constant 104 : i32
        %dma_start3A_285 = arith.constant 0 : i32
        %dma_start3A_286 = tpu.memref_slice %arg11[%dma_start3A_284, %dma_start3A_285] : memref<200x64xf32, #tpu.memory_space<vmem>> -> memref<96x64xf32, #tpu.memory_space<vmem>>
        %dma_start3A_287 = tpu.memref_slice %arg6[%add3A_283] : memref<25600xi32, #tpu.memory_space<vmem>> -> memref<96xi32, #tpu.memory_space<vmem>>
        %dma_start3A_288 = arith.constant 0 : i32
        %dma_start3A_289 = arith.constant 0 : i32
        %dma_start3A_290 = tpu.memref_slice %arg3[%dma_start3A_288, %dma_start3A_289] : memref<1000000x64xf32, #tpu.memory_space<hbm>> -> memref<1000000x64xf32, #tpu.memory_space<hbm>>
        tpu.enqueue_indirect_dma source(%dma_start3A_290 : memref<1000000x64xf32, #tpu.memory_space<hbm>>) target(%dma_start3A_286 : memref<96x64xf32, #tpu.memory_space<vmem>>) offsets(%dma_start3A_287 : memref<96xi32, #tpu.memory_space<vmem>>) semaphore(%arg15 : memref<!tpu.dma_semaphore, #tpu.memory_space<semaphore_mem>>)
      } else {
      }
      %mul3A_149 = arith.constant 200 : i32
      %mul3A_150 = arith.muli %add3A_138, %mul3A_149 : i32
      %multiple_of3A_151 = tpu.assume_multiple %mul3A_150, 8 : i32
      %add3A_152 = arith.constant 0 : i32
      %add3A_153 = arith.addi %multiple_of3A_151, %add3A_152 : i32
      %dma_wait3A_154 = arith.constant 0 : i32
      %dma_wait3A_155 = arith.constant 0 : i32
      %dma_wait3A_156 = tpu.memref_slice %arg9[%dma_wait3A_154, %dma_wait3A_155] : memref<200x64xf32, #tpu.memory_space<vmem>> -> memref<104x64xf32, #tpu.memory_space<vmem>>
      %dma_wait3A_157 = tpu.memref_slice %arg6[%add3A_153] : memref<25600xi32, #tpu.memory_space<vmem>> -> memref<104xi32, #tpu.memory_space<vmem>>
      %dma_wait3A_158 = arith.constant 0 : i32
      %dma_wait3A_159 = arith.constant 0 : i32
      %dma_wait3A_160 = tpu.memref_slice %arg3[%dma_wait3A_158, %dma_wait3A_159] : memref<1000000x64xf32, #tpu.memory_space<hbm>> -> memref<1000000x64xf32, #tpu.memory_space<hbm>>
      tpu.wait_indirect_dma semaphore(%arg13 : memref<!tpu.dma_semaphore, #tpu.memory_space<semaphore_mem>>) src(%dma_wait3A_160 : memref<1000000x64xf32, #tpu.memory_space<hbm>>) dst(%dma_wait3A_156 : memref<104x64xf32, #tpu.memory_space<vmem>>)
      %add3A_161 = arith.constant 104 : i32
      %add3A_162 = arith.addi %multiple_of3A_151, %add3A_161 : i32
      %dma_wait3A_163 = arith.constant 104 : i32
      %dma_wait3A_164 = arith.constant 0 : i32
      %dma_wait3A_165 = tpu.memref_slice %arg9[%dma_wait3A_163, %dma_wait3A_164] : memref<200x64xf32, #tpu.memory_space<vmem>> -> memref<96x64xf32, #tpu.memory_space<vmem>>
      %dma_wait3A_166 = tpu.memref_slice %arg6[%add3A_162] : memref<25600xi32, #tpu.memory_space<vmem>> -> memref<96xi32, #tpu.memory_space<vmem>>
      %dma_wait3A_167 = arith.constant 0 : i32
      %dma_wait3A_168 = arith.constant 0 : i32
      %dma_wait3A_169 = tpu.memref_slice %arg3[%dma_wait3A_167, %dma_wait3A_168] : memref<1000000x64xf32, #tpu.memory_space<hbm>> -> memref<1000000x64xf32, #tpu.memory_space<hbm>>
      tpu.wait_indirect_dma semaphore(%arg13 : memref<!tpu.dma_semaphore, #tpu.memory_space<semaphore_mem>>) src(%dma_wait3A_169 : memref<1000000x64xf32, #tpu.memory_space<hbm>>) dst(%dma_wait3A_165 : memref<96x64xf32, #tpu.memory_space<vmem>>)
      %parallel_loop3A_170 = arith.constant 0 : i32
      %parallel_loop3A_171 = arith.constant 200 : i32
      %parallel_loop3A_172 = arith.constant 1 : i32
      scf.for %parallel_loop3A_268 = %parallel_loop3A_170 to %parallel_loop3A_171 step %parallel_loop3A_172  : i32 {
        %parallel_loop3A_269 = arith.index_cast %parallel_loop3A_268 : i32 to index
        %parallel_loop3A_270 = arith.constant 0 : index
        %parallel_loop3A_271 = tpu.vector_load %arg9[%parallel_loop3A_269, %parallel_loop3A_270] {strides = array<i32>} : memref<200x64xf32, #tpu.memory_space<vmem>>, vector<1x16xf32>,
        %parallel_loop3A_272 = vector.shape_cast %parallel_loop3A_271 : vector<1x16xf32> to vector<16xf32>
        %parallel_loop3A_273 = arith.constant 8.000000e+00 : f32
        %parallel_loop3A_274 = vector.broadcast %parallel_loop3A_273 : f32 to vector<16xf32>
        %parallel_loop3A_275 = arith.mulf %parallel_loop3A_272, %parallel_loop3A_274 : vector<16xf32>
        %parallel_loop3A_276 = arith.index_cast %parallel_loop3A_268 : i32 to index
        %parallel_loop3A_277 = arith.constant 0 : index
        %parallel_loop3A_278 = tpu.vector_load %arg7[%parallel_loop3A_276, %parallel_loop3A_277] {strides = array<i32>} : memref<200x64xf32, #tpu.memory_space<vmem>>, vector<1x16xf32>,
        %parallel_loop3A_279 = vector.shape_cast %parallel_loop3A_278 : vector<1x16xf32> to vector<16xf32>
        %parallel_loop3A_280 = arith.addf %parallel_loop3A_275, %parallel_loop3A_279 : vector<16xf32>
        %parallel_loop3A_281 = arith.index_cast %parallel_loop3A_268 : i32 to index
        %parallel_loop3A_282 = arith.constant 0 : index
        %parallel_loop3A_283 = tpu.vector_load %arg9[%parallel_loop3A_281, %parallel_loop3A_282] {strides = array<i32>} : memref<200x64xf32, #tpu.memory_space<vmem>>, vector<1x16xf32>,
        %parallel_loop3A_284 = vector.shape_cast %parallel_loop3A_283 : vector<1x16xf32> to vector<16xf32>
        %parallel_loop3A_285 = vector.shape_cast %parallel_loop3A_280 : vector<16xf32> to vector<1x16xf32>
        tpu.vector_store %arg9[%parallel_loop3A_281, %parallel_loop3A_282], %parallel_loop3A_285 {strides = array<i32>} : memref<200x64xf32, #tpu.memory_space<vmem>>, vector<1x16xf32>,
        %parallel_loop3A_286 = arith.index_cast %parallel_loop3A_268 : i32 to index
        %parallel_loop3A_287 = arith.constant 16 : index
        %parallel_loop3A_288 = tpu.vector_load %arg9[%parallel_loop3A_286, %parallel_loop3A_287] {strides = array<i32>} : memref<200x64xf32, #tpu.memory_space<vmem>>, vector<1x16xf32>,
        %parallel_loop3A_289 = vector.shape_cast %parallel_loop3A_288 : vector<1x16xf32> to vector<16xf32>
        %parallel_loop3A_290 = arith.constant 8.000000e+00 : f32
        %parallel_loop3A_291 = vector.broadcast %parallel_loop3A_290 : f32 to vector<16xf32>
        %parallel_loop3A_292 = arith.mulf %parallel_loop3A_289, %parallel_loop3A_291 : vector<16xf32>
        %parallel_loop3A_293 = arith.index_cast %parallel_loop3A_268 : i32 to index
        %parallel_loop3A_294 = arith.constant 16 : index
        %parallel_loop3A_295 = tpu.vector_load %arg7[%parallel_loop3A_293, %parallel_loop3A_294] {strides = array<i32>} : memref<200x64xf32, #tpu.memory_space<vmem>>, vector<1x16xf32>,
        %parallel_loop3A_296 = vector.shape_cast %parallel_loop3A_295 : vector<1x16xf32> to vector<16xf32>
        %parallel_loop3A_297 = arith.addf %parallel_loop3A_292, %parallel_loop3A_296 : vector<16xf32>
        %parallel_loop3A_298 = arith.index_cast %parallel_loop3A_268 : i32 to index
        %parallel_loop3A_299 = arith.constant 16 : index
        %parallel_loop3A_300 = tpu.vector_load %arg9[%parallel_loop3A_298, %parallel_loop3A_299] {strides = array<i32>} : memref<200x64xf32, #tpu.memory_space<vmem>>, vector<1x16xf32>,
        %parallel_loop3A_301 = vector.shape_cast %parallel_loop3A_300 : vector<1x16xf32> to vector<16xf32>
        %parallel_loop3A_302 = vector.shape_cast %parallel_loop3A_297 : vector<16xf32> to vector<1x16xf32>
        tpu.vector_store %arg9[%parallel_loop3A_298, %parallel_loop3A_299], %parallel_loop3A_302 {strides = array<i32>} : memref<200x64xf32, #tpu.memory_space<vmem>>, vector<1x16xf32>,
        %parallel_loop3A_303 = arith.index_cast %parallel_loop3A_268 : i32 to index
        %parallel_loop3A_304 = arith.constant 32 : index
        %parallel_loop3A_305 = tpu.vector_load %arg9[%parallel_loop3A_303, %parallel_loop3A_304] {strides = array<i32>} : memref<200x64xf32, #tpu.memory_space<vmem>>, vector<1x16xf32>,
        %parallel_loop3A_306 = vector.shape_cast %parallel_loop3A_305 : vector<1x16xf32> to vector<16xf32>
        %parallel_loop3A_307 = arith.constant 8.000000e+00 : f32
        %parallel_loop3A_308 = vector.broadcast %parallel_loop3A_307 : f32 to vector<16xf32>
        %parallel_loop3A_309 = arith.mulf %parallel_loop3A_306, %parallel_loop3A_308 : vector<16xf32>
        %parallel_loop3A_310 = arith.index_cast %parallel_loop3A_268 : i32 to index
        %parallel_loop3A_311 = arith.constant 32 : index
        %parallel_loop3A_312 = tpu.vector_load %arg7[%parallel_loop3A_310, %parallel_loop3A_311] {strides = array<i32>} : memref<200x64xf32, #tpu.memory_space<vmem>>, vector<1x16xf32>,
        %parallel_loop3A_313 = vector.shape_cast %parallel_loop3A_312 : vector<1x16xf32> to vector<16xf32>
        %parallel_loop3A_314 = arith.addf %parallel_loop3A_309, %parallel_loop3A_313 : vector<16xf32>
        %parallel_loop3A_315 = arith.index_cast %parallel_loop3A_268 : i32 to index
        %parallel_loop3A_316 = arith.constant 32 : index
        %parallel_loop3A_317 = tpu.vector_load %arg9[%parallel_loop3A_315, %parallel_loop3A_316] {strides = array<i32>} : memref<200x64xf32, #tpu.memory_space<vmem>>, vector<1x16xf32>,
        %parallel_loop3A_318 = vector.shape_cast %parallel_loop3A_317 : vector<1x16xf32> to vector<16xf32>
        %parallel_loop3A_319 = vector.shape_cast %parallel_loop3A_314 : vector<16xf32> to vector<1x16xf32>
        tpu.vector_store %arg9[%parallel_loop3A_315, %parallel_loop3A_316], %parallel_loop3A_319 {strides = array<i32>} : memref<200x64xf32, #tpu.memory_space<vmem>>, vector<1x16xf32>,
        %parallel_loop3A_320 = arith.index_cast %parallel_loop3A_268 : i32 to index
        %parallel_loop3A_321 = arith.constant 48 : index
        %parallel_loop3A_322 = tpu.vector_load %arg9[%parallel_loop3A_320, %parallel_loop3A_321] {strides = array<i32>} : memref<200x64xf32, #tpu.memory_space<vmem>>, vector<1x16xf32>,
        %parallel_loop3A_323 = vector.shape_cast %parallel_loop3A_322 : vector<1x16xf32> to vector<16xf32>
        %parallel_loop3A_324 = arith.constant 8.000000e+00 : f32
        %parallel_loop3A_325 = vector.broadcast %parallel_loop3A_324 : f32 to vector<16xf32>
        %parallel_loop3A_326 = arith.mulf %parallel_loop3A_323, %parallel_loop3A_325 : vector<16xf32>
        %parallel_loop3A_327 = arith.index_cast %parallel_loop3A_268 : i32 to index
        %parallel_loop3A_328 = arith.constant 48 : index
        %parallel_loop3A_329 = tpu.vector_load %arg7[%parallel_loop3A_327, %parallel_loop3A_328] {strides = array<i32>} : memref<200x64xf32, #tpu.memory_space<vmem>>, vector<1x16xf32>,
        %parallel_loop3A_330 = vector.shape_cast %parallel_loop3A_329 : vector<1x16xf32> to vector<16xf32>
        %parallel_loop3A_331 = arith.addf %parallel_loop3A_326, %parallel_loop3A_330 : vector<16xf32>
        %parallel_loop3A_332 = arith.index_cast %parallel_loop3A_268 : i32 to index
        %parallel_loop3A_333 = arith.constant 48 : index
        %parallel_loop3A_334 = tpu.vector_load %arg9[%parallel_loop3A_332, %parallel_loop3A_333] {strides = array<i32>} : memref<200x64xf32, #tpu.memory_space<vmem>>, vector<1x16xf32>,
        %parallel_loop3A_335 = vector.shape_cast %parallel_loop3A_334 : vector<1x16xf32> to vector<16xf32>
        %parallel_loop3A_336 = vector.shape_cast %parallel_loop3A_331 : vector<16xf32> to vector<1x16xf32>
        tpu.vector_store %arg9[%parallel_loop3A_332, %parallel_loop3A_333], %parallel_loop3A_336 {strides = array<i32>} : memref<200x64xf32, #tpu.memory_space<vmem>>, vector<1x16xf32>,
      } {sc.loop_unroll_factor = 4 : i64, sc.parallel_access}
      %mul3A_173 = arith.constant 128 : i32
      %mul3A_174 = arith.muli %add3A, %mul3A_173 : i32
      %add3A_175 = arith.addi %mul3A_174, %add3A_138 : i32
      %mul3A_176 = arith.constant 200 : i32
      %mul3A_177 = arith.muli %add3A_175, %mul3A_176 : i32
      %multiple_of3A_178 = tpu.assume_multiple %mul3A_177, 8 : i32
      %dma_start3A_179 = arith.constant 0 : i32
      %dma_start3A_180 = tpu.memref_slice %arg5[%multiple_of3A_178, %dma_start3A_179] : memref<819200x64xf32, #tpu.memory_space<hbm>> -> memref<200x64xf32, #tpu.memory_space<hbm>>
      %dma_start3A_181 = arith.constant 0 : i32
      %dma_start3A_182 = tpu.memref_slice %arg5[%multiple_of3A_178, %dma_start3A_181] : memref<819200x64xf32, #tpu.memory_space<hbm>> -> memref<200x64xf32, #tpu.memory_space<hbm>>
      tpu.enqueue_dma source(%arg9 : memref<200x64xf32, #tpu.memory_space<vmem>>) target(%dma_start3A_182 : memref<200x64xf32, #tpu.memory_space<hbm>>) target_semaphore(%arg17 : memref<!tpu.dma_semaphore, #tpu.memory_space<semaphore_mem>>)
      %mul3A_183 = arith.constant 4 : i32
      %mul3A_184 = arith.muli %scan3A_91, %mul3A_183 : i32
      %add3A_185 = arith.constant 2 : i32
      %add3A_186 = arith.addi %mul3A_184, %add3A_185 : i32
      %lt3A = arith.constant 31 : i32
      %lt3A_187 = arith.cmpi slt, %scan3A_91, %lt3A : i32
      %convert_element_type3A_188 = arith.extui %lt3A_187 : i1 to i32
      %cond3A_189 = arith.constant 0 : i32
      %cond3A_190 = arith.cmpi ne, %convert_element_type3A_188, %cond3A_189 : i32
      scf.if %cond3A_190 {
        %sub3A = arith.constant 2 : i32
        %sub3A_268 = arith.subi %add3A_186, %sub3A : i32
        %mul3A_269 = arith.constant 128 : i32
        %mul3A_270 = arith.muli %add3A, %mul3A_269 : i32
        %add3A_271 = arith.addi %mul3A_270, %sub3A_268 : i32
        %mul3A_272 = arith.constant 200 : i32
        %mul3A_273 = arith.muli %add3A_271, %mul3A_272 : i32
        %multiple_of3A_274 = tpu.assume_multiple %mul3A_273, 8 : i32
        %dma_wait3A_275 = arith.constant 0 : i32
        %dma_wait3A_276 = tpu.memref_slice %arg5[%multiple_of3A_274, %dma_wait3A_275] : memref<819200x64xf32, #tpu.memory_space<hbm>> -> memref<200x64xf32, #tpu.memory_space<hbm>>
        %dma_wait3A_277 = arith.constant 0 : i32
        %dma_wait3A_278 = tpu.memref_slice %arg5[%multiple_of3A_274, %dma_wait3A_277] : memref<819200x64xf32, #tpu.memory_space<hbm>> -> memref<200x64xf32, #tpu.memory_space<hbm>>
        tpu.wait_dma2 semaphore(%arg16 : memref<!tpu.dma_semaphore, #tpu.memory_space<semaphore_mem>>) src(%arg8 : memref<200x64xf32, #tpu.memory_space<vmem>>) dst(%dma_wait3A_278 : memref<200x64xf32, #tpu.memory_space<hbm>>)
        %add3A_279 = arith.constant 2 : i32
        %add3A_280 = arith.addi %add3A_186, %add3A_279 : i32
        %mul3A_281 = arith.constant 200 : i32
        %mul3A_282 = arith.muli %add3A_280, %mul3A_281 : i32
        %multiple_of3A_283 = tpu.assume_multiple %mul3A_282, 8 : i32
        %add3A_284 = arith.constant 0 : i32
        %add3A_285 = arith.addi %multiple_of3A_283, %add3A_284 : i32
        %dma_start3A_286 = arith.constant 0 : i32
        %dma_start3A_287 = arith.constant 0 : i32
        %dma_start3A_288 = tpu.memref_slice %arg8[%dma_start3A_286, %dma_start3A_287] : memref<200x64xf32, #tpu.memory_space<vmem>> -> memref<104x64xf32, #tpu.memory_space<vmem>>
        %dma_start3A_289 = tpu.memref_slice %arg6[%add3A_285] : memref<25600xi32, #tpu.memory_space<vmem>> -> memref<104xi32, #tpu.memory_space<vmem>>
        %dma_start3A_290 = arith.constant 0 : i32
        %dma_start3A_291 = arith.constant 0 : i32
        %dma_start3A_292 = tpu.memref_slice %arg3[%dma_start3A_290, %dma_start3A_291] : memref<1000000x64xf32, #tpu.memory_space<hbm>> -> memref<1000000x64xf32, #tpu.memory_space<hbm>>
        tpu.enqueue_indirect_dma source(%dma_start3A_292 : memref<1000000x64xf32, #tpu.memory_space<hbm>>) target(%dma_start3A_288 : memref<104x64xf32, #tpu.memory_space<vmem>>) offsets(%dma_start3A_289 : memref<104xi32, #tpu.memory_space<vmem>>) semaphore(%arg12 : memref<!tpu.dma_semaphore, #tpu.memory_space<semaphore_mem>>)
        %add3A_293 = arith.constant 104 : i32
        %add3A_294 = arith.addi %multiple_of3A_283, %add3A_293 : i32
        %dma_start3A_295 = arith.constant 104 : i32
        %dma_start3A_296 = arith.constant 0 : i32
        %dma_start3A_297 = tpu.memref_slice %arg8[%dma_start3A_295, %dma_start3A_296] : memref<200x64xf32, #tpu.memory_space<vmem>> -> memref<96x64xf32, #tpu.memory_space<vmem>>
        %dma_start3A_298 = tpu.memref_slice %arg6[%add3A_294] : memref<25600xi32, #tpu.memory_space<vmem>> -> memref<96xi32, #tpu.memory_space<vmem>>
        %dma_start3A_299 = arith.constant 0 : i32
        %dma_start3A_300 = arith.constant 0 : i32
        %dma_start3A_301 = tpu.memref_slice %arg3[%dma_start3A_299, %dma_start3A_300] : memref<1000000x64xf32, #tpu.memory_space<hbm>> -> memref<1000000x64xf32, #tpu.memory_space<hbm>>
        tpu.enqueue_indirect_dma source(%dma_start3A_301 : memref<1000000x64xf32, #tpu.memory_space<hbm>>) target(%dma_start3A_297 : memref<96x64xf32, #tpu.memory_space<vmem>>) offsets(%dma_start3A_298 : memref<96xi32, #tpu.memory_space<vmem>>) semaphore(%arg12 : memref<!tpu.dma_semaphore, #tpu.memory_space<semaphore_mem>>)
      } else {
      }
      %mul3A_191 = arith.constant 200 : i32
      %mul3A_192 = arith.muli %add3A_186, %mul3A_191 : i32
      %multiple_of3A_193 = tpu.assume_multiple %mul3A_192, 8 : i32
      %add3A_194 = arith.constant 0 : i32
      %add3A_195 = arith.addi %multiple_of3A_193, %add3A_194 : i32
      %dma_wait3A_196 = arith.constant 0 : i32
      %dma_wait3A_197 = arith.constant 0 : i32
      %dma_wait3A_198 = tpu.memref_slice %arg10[%dma_wait3A_196, %dma_wait3A_197] : memref<200x64xf32, #tpu.memory_space<vmem>> -> memref<104x64xf32, #tpu.memory_space<vmem>>
      %dma_wait3A_199 = tpu.memref_slice %arg6[%add3A_195] : memref<25600xi32, #tpu.memory_space<vmem>> -> memref<104xi32, #tpu.memory_space<vmem>>
      %dma_wait3A_200 = arith.constant 0 : i32
      %dma_wait3A_201 = arith.constant 0 : i32
      %dma_wait3A_202 = tpu.memref_slice %arg3[%dma_wait3A_200, %dma_wait3A_201] : memref<1000000x64xf32, #tpu.memory_space<hbm>> -> memref<1000000x64xf32, #tpu.memory_space<hbm>>
      tpu.wait_indirect_dma semaphore(%arg14 : memref<!tpu.dma_semaphore, #tpu.memory_space<semaphore_mem>>) src(%dma_wait3A_202 : memref<1000000x64xf32, #tpu.memory_space<hbm>>) dst(%dma_wait3A_198 : memref<104x64xf32, #tpu.memory_space<vmem>>)
      %add3A_203 = arith.constant 104 : i32
      %add3A_204 = arith.addi %multiple_of3A_193, %add3A_203 : i32
      %dma_wait3A_205 = arith.constant 104 : i32
      %dma_wait3A_206 = arith.constant 0 : i32
      %dma_wait3A_207 = tpu.memref_slice %arg10[%dma_wait3A_205, %dma_wait3A_206] : memref<200x64xf32, #tpu.memory_space<vmem>> -> memref<96x64xf32, #tpu.memory_space<vmem>>
      %dma_wait3A_208 = tpu.memref_slice %arg6[%add3A_204] : memref<25600xi32, #tpu.memory_space<vmem>> -> memref<96xi32, #tpu.memory_space<vmem>>
      %dma_wait3A_209 = arith.constant 0 : i32
      %dma_wait3A_210 = arith.constant 0 : i32
      %dma_wait3A_211 = tpu.memref_slice %arg3[%dma_wait3A_209, %dma_wait3A_210] : memref<1000000x64xf32, #tpu.memory_space<hbm>> -> memref<1000000x64xf32, #tpu.memory_space<hbm>>
      tpu.wait_indirect_dma semaphore(%arg14 : memref<!tpu.dma_semaphore, #tpu.memory_space<semaphore_mem>>) src(%dma_wait3A_211 : memref<1000000x64xf32, #tpu.memory_space<hbm>>) dst(%dma_wait3A_207 : memref<96x64xf32, #tpu.memory_space<vmem>>)
      %parallel_loop3A_212 = arith.constant 0 : i32
      %parallel_loop3A_213 = arith.constant 200 : i32
      %parallel_loop3A_214 = arith.constant 1 : i32
      scf.for %parallel_loop3A_268 = %parallel_loop3A_212 to %parallel_loop3A_213 step %parallel_loop3A_214  : i32 {
        %parallel_loop3A_269 = arith.index_cast %parallel_loop3A_268 : i32 to index
        %parallel_loop3A_270 = arith.constant 0 : index
        %parallel_loop3A_271 = tpu.vector_load %arg10[%parallel_loop3A_269, %parallel_loop3A_270] {strides = array<i32>} : memref<200x64xf32, #tpu.memory_space<vmem>>, vector<1x16xf32>,
        %parallel_loop3A_272 = vector.shape_cast %parallel_loop3A_271 : vector<1x16xf32> to vector<16xf32>
        %parallel_loop3A_273 = arith.constant 8.000000e+00 : f32
        %parallel_loop3A_274 = vector.broadcast %parallel_loop3A_273 : f32 to vector<16xf32>
        %parallel_loop3A_275 = arith.mulf %parallel_loop3A_272, %parallel_loop3A_274 : vector<16xf32>
        %parallel_loop3A_276 = arith.index_cast %parallel_loop3A_268 : i32 to index
        %parallel_loop3A_277 = arith.constant 0 : index
        %parallel_loop3A_278 = tpu.vector_load %arg7[%parallel_loop3A_276, %parallel_loop3A_277] {strides = array<i32>} : memref<200x64xf32, #tpu.memory_space<vmem>>, vector<1x16xf32>,
        %parallel_loop3A_279 = vector.shape_cast %parallel_loop3A_278 : vector<1x16xf32> to vector<16xf32>
        %parallel_loop3A_280 = arith.addf %parallel_loop3A_275, %parallel_loop3A_279 : vector<16xf32>
        %parallel_loop3A_281 = arith.index_cast %parallel_loop3A_268 : i32 to index
        %parallel_loop3A_282 = arith.constant 0 : index
        %parallel_loop3A_283 = tpu.vector_load %arg10[%parallel_loop3A_281, %parallel_loop3A_282] {strides = array<i32>} : memref<200x64xf32, #tpu.memory_space<vmem>>, vector<1x16xf32>,
        %parallel_loop3A_284 = vector.shape_cast %parallel_loop3A_283 : vector<1x16xf32> to vector<16xf32>
        %parallel_loop3A_285 = vector.shape_cast %parallel_loop3A_280 : vector<16xf32> to vector<1x16xf32>
        tpu.vector_store %arg10[%parallel_loop3A_281, %parallel_loop3A_282], %parallel_loop3A_285 {strides = array<i32>} : memref<200x64xf32, #tpu.memory_space<vmem>>, vector<1x16xf32>,
        %parallel_loop3A_286 = arith.index_cast %parallel_loop3A_268 : i32 to index
        %parallel_loop3A_287 = arith.constant 16 : index
        %parallel_loop3A_288 = tpu.vector_load %arg10[%parallel_loop3A_286, %parallel_loop3A_287] {strides = array<i32>} : memref<200x64xf32, #tpu.memory_space<vmem>>, vector<1x16xf32>,
        %parallel_loop3A_289 = vector.shape_cast %parallel_loop3A_288 : vector<1x16xf32> to vector<16xf32>
        %parallel_loop3A_290 = arith.constant 8.000000e+00 : f32
        %parallel_loop3A_291 = vector.broadcast %parallel_loop3A_290 : f32 to vector<16xf32>
        %parallel_loop3A_292 = arith.mulf %parallel_loop3A_289, %parallel_loop3A_291 : vector<16xf32>
        %parallel_loop3A_293 = arith.index_cast %parallel_loop3A_268 : i32 to index
        %parallel_loop3A_294 = arith.constant 16 : index
        %parallel_loop3A_295 = tpu.vector_load %arg7[%parallel_loop3A_293, %parallel_loop3A_294] {strides = array<i32>} : memref<200x64xf32, #tpu.memory_space<vmem>>, vector<1x16xf32>,
        %parallel_loop3A_296 = vector.shape_cast %parallel_loop3A_295 : vector<1x16xf32> to vector<16xf32>
        %parallel_loop3A_297 = arith.addf %parallel_loop3A_292, %parallel_loop3A_296 : vector<16xf32>
        %parallel_loop3A_298 = arith.index_cast %parallel_loop3A_268 : i32 to index
        %parallel_loop3A_299 = arith.constant 16 : index
        %parallel_loop3A_300 = tpu.vector_load %arg10[%parallel_loop3A_298, %parallel_loop3A_299] {strides = array<i32>} : memref<200x64xf32, #tpu.memory_space<vmem>>, vector<1x16xf32>,
        %parallel_loop3A_301 = vector.shape_cast %parallel_loop3A_300 : vector<1x16xf32> to vector<16xf32>
        %parallel_loop3A_302 = vector.shape_cast %parallel_loop3A_297 : vector<16xf32> to vector<1x16xf32>
        tpu.vector_store %arg10[%parallel_loop3A_298, %parallel_loop3A_299], %parallel_loop3A_302 {strides = array<i32>} : memref<200x64xf32, #tpu.memory_space<vmem>>, vector<1x16xf32>,
        %parallel_loop3A_303 = arith.index_cast %parallel_loop3A_268 : i32 to index
        %parallel_loop3A_304 = arith.constant 32 : index
        %parallel_loop3A_305 = tpu.vector_load %arg10[%parallel_loop3A_303, %parallel_loop3A_304] {strides = array<i32>} : memref<200x64xf32, #tpu.memory_space<vmem>>, vector<1x16xf32>,
        %parallel_loop3A_306 = vector.shape_cast %parallel_loop3A_305 : vector<1x16xf32> to vector<16xf32>
        %parallel_loop3A_307 = arith.constant 8.000000e+00 : f32
        %parallel_loop3A_308 = vector.broadcast %parallel_loop3A_307 : f32 to vector<16xf32>
        %parallel_loop3A_309 = arith.mulf %parallel_loop3A_306, %parallel_loop3A_308 : vector<16xf32>
        %parallel_loop3A_310 = arith.index_cast %parallel_loop3A_268 : i32 to index
        %parallel_loop3A_311 = arith.constant 32 : index
        %parallel_loop3A_312 = tpu.vector_load %arg7[%parallel_loop3A_310, %parallel_loop3A_311] {strides = array<i32>} : memref<200x64xf32, #tpu.memory_space<vmem>>, vector<1x16xf32>,
        %parallel_loop3A_313 = vector.shape_cast %parallel_loop3A_312 : vector<1x16xf32> to vector<16xf32>
        %parallel_loop3A_314 = arith.addf %parallel_loop3A_309, %parallel_loop3A_313 : vector<16xf32>
        %parallel_loop3A_315 = arith.index_cast %parallel_loop3A_268 : i32 to index
        %parallel_loop3A_316 = arith.constant 32 : index
        %parallel_loop3A_317 = tpu.vector_load %arg10[%parallel_loop3A_315, %parallel_loop3A_316] {strides = array<i32>} : memref<200x64xf32, #tpu.memory_space<vmem>>, vector<1x16xf32>,
        %parallel_loop3A_318 = vector.shape_cast %parallel_loop3A_317 : vector<1x16xf32> to vector<16xf32>
        %parallel_loop3A_319 = vector.shape_cast %parallel_loop3A_314 : vector<16xf32> to vector<1x16xf32>
        tpu.vector_store %arg10[%parallel_loop3A_315, %parallel_loop3A_316], %parallel_loop3A_319 {strides = array<i32>} : memref<200x64xf32, #tpu.memory_space<vmem>>, vector<1x16xf32>,
        %parallel_loop3A_320 = arith.index_cast %parallel_loop3A_268 : i32 to index
        %parallel_loop3A_321 = arith.constant 48 : index
        %parallel_loop3A_322 = tpu.vector_load %arg10[%parallel_loop3A_320, %parallel_loop3A_321] {strides = array<i32>} : memref<200x64xf32, #tpu.memory_space<vmem>>, vector<1x16xf32>,
        %parallel_loop3A_323 = vector.shape_cast %parallel_loop3A_322 : vector<1x16xf32> to vector<16xf32>
        %parallel_loop3A_324 = arith.constant 8.000000e+00 : f32
        %parallel_loop3A_325 = vector.broadcast %parallel_loop3A_324 : f32 to vector<16xf32>
        %parallel_loop3A_326 = arith.mulf %parallel_loop3A_323, %parallel_loop3A_325 : vector<16xf32>
        %parallel_loop3A_327 = arith.index_cast %parallel_loop3A_268 : i32 to index
        %parallel_loop3A_328 = arith.constant 48 : index
        %parallel_loop3A_329 = tpu.vector_load %arg7[%parallel_loop3A_327, %parallel_loop3A_328] {strides = array<i32>} : memref<200x64xf32, #tpu.memory_space<vmem>>, vector<1x16xf32>,
        %parallel_loop3A_330 = vector.shape_cast %parallel_loop3A_329 : vector<1x16xf32> to vector<16xf32>
        %parallel_loop3A_331 = arith.addf %parallel_loop3A_326, %parallel_loop3A_330 : vector<16xf32>
        %parallel_loop3A_332 = arith.index_cast %parallel_loop3A_268 : i32 to index
        %parallel_loop3A_333 = arith.constant 48 : index
        %parallel_loop3A_334 = tpu.vector_load %arg10[%parallel_loop3A_332, %parallel_loop3A_333] {strides = array<i32>} : memref<200x64xf32, #tpu.memory_space<vmem>>, vector<1x16xf32>,
        %parallel_loop3A_335 = vector.shape_cast %parallel_loop3A_334 : vector<1x16xf32> to vector<16xf32>
        %parallel_loop3A_336 = vector.shape_cast %parallel_loop3A_331 : vector<16xf32> to vector<1x16xf32>
        tpu.vector_store %arg10[%parallel_loop3A_332, %parallel_loop3A_333], %parallel_loop3A_336 {strides = array<i32>} : memref<200x64xf32, #tpu.memory_space<vmem>>, vector<1x16xf32>,
      } {sc.loop_unroll_factor = 4 : i64, sc.parallel_access}
      %mul3A_215 = arith.constant 128 : i32
      %mul3A_216 = arith.muli %add3A, %mul3A_215 : i32
      %add3A_217 = arith.addi %mul3A_216, %add3A_186 : i32
      %mul3A_218 = arith.constant 200 : i32
      %mul3A_219 = arith.muli %add3A_217, %mul3A_218 : i32
      %multiple_of3A_220 = tpu.assume_multiple %mul3A_219, 8 : i32
      %dma_start3A_221 = arith.constant 0 : i32
      %dma_start3A_222 = tpu.memref_slice %arg5[%multiple_of3A_220, %dma_start3A_221] : memref<819200x64xf32, #tpu.memory_space<hbm>> -> memref<200x64xf32, #tpu.memory_space<hbm>>
      %dma_start3A_223 = arith.constant 0 : i32
      %dma_start3A_224 = tpu.memref_slice %arg5[%multiple_of3A_220, %dma_start3A_223] : memref<819200x64xf32, #tpu.memory_space<hbm>> -> memref<200x64xf32, #tpu.memory_space<hbm>>
      tpu.enqueue_dma source(%arg10 : memref<200x64xf32, #tpu.memory_space<vmem>>) target(%dma_start3A_224 : memref<200x64xf32, #tpu.memory_space<hbm>>) target_semaphore(%arg18 : memref<!tpu.dma_semaphore, #tpu.memory_space<semaphore_mem>>)
      %mul3A_225 = arith.constant 4 : i32
      %mul3A_226 = arith.muli %scan3A_91, %mul3A_225 : i32
      %add3A_227 = arith.constant 3 : i32
      %add3A_228 = arith.addi %mul3A_226, %add3A_227 : i32
      %lt3A_229 = arith.constant 31 : i32
      %lt3A_230 = arith.cmpi slt, %scan3A_91, %lt3A_229 : i32
      %convert_element_type3A_231 = arith.extui %lt3A_230 : i1 to i32
      %cond3A_232 = arith.constant 0 : i32
      %cond3A_233 = arith.cmpi ne, %convert_element_type3A_231, %cond3A_232 : i32
      scf.if %cond3A_233 {
        %sub3A = arith.constant 2 : i32
        %sub3A_268 = arith.subi %add3A_228, %sub3A : i32
        %mul3A_269 = arith.constant 128 : i32
        %mul3A_270 = arith.muli %add3A, %mul3A_269 : i32
        %add3A_271 = arith.addi %mul3A_270, %sub3A_268 : i32
        %mul3A_272 = arith.constant 200 : i32
        %mul3A_273 = arith.muli %add3A_271, %mul3A_272 : i32
        %multiple_of3A_274 = tpu.assume_multiple %mul3A_273, 8 : i32
        %dma_wait3A_275 = arith.constant 0 : i32
        %dma_wait3A_276 = tpu.memref_slice %arg5[%multiple_of3A_274, %dma_wait3A_275] : memref<819200x64xf32, #tpu.memory_space<hbm>> -> memref<200x64xf32, #tpu.memory_space<hbm>>
        %dma_wait3A_277 = arith.constant 0 : i32
        %dma_wait3A_278 = tpu.memref_slice %arg5[%multiple_of3A_274, %dma_wait3A_277] : memref<819200x64xf32, #tpu.memory_space<hbm>> -> memref<200x64xf32, #tpu.memory_space<hbm>>
        tpu.wait_dma2 semaphore(%arg17 : memref<!tpu.dma_semaphore, #tpu.memory_space<semaphore_mem>>) src(%arg9 : memref<200x64xf32, #tpu.memory_space<vmem>>) dst(%dma_wait3A_278 : memref<200x64xf32, #tpu.memory_space<hbm>>)
        %add3A_279 = arith.constant 2 : i32
        %add3A_280 = arith.addi %add3A_228, %add3A_279 : i32
        %mul3A_281 = arith.constant 200 : i32
        %mul3A_282 = arith.muli %add3A_280, %mul3A_281 : i32
        %multiple_of3A_283 = tpu.assume_multiple %mul3A_282, 8 : i32
        %add3A_284 = arith.constant 0 : i32
        %add3A_285 = arith.addi %multiple_of3A_283, %add3A_284 : i32
        %dma_start3A_286 = arith.constant 0 : i32
        %dma_start3A_287 = arith.constant 0 : i32
        %dma_start3A_288 = tpu.memref_slice %arg9[%dma_start3A_286, %dma_start3A_287] : memref<200x64xf32, #tpu.memory_space<vmem>> -> memref<104x64xf32, #tpu.memory_space<vmem>>
        %dma_start3A_289 = tpu.memref_slice %arg6[%add3A_285] : memref<25600xi32, #tpu.memory_space<vmem>> -> memref<104xi32, #tpu.memory_space<vmem>>
        %dma_start3A_290 = arith.constant 0 : i32
        %dma_start3A_291 = arith.constant 0 : i32
        %dma_start3A_292 = tpu.memref_slice %arg3[%dma_start3A_290, %dma_start3A_291] : memref<1000000x64xf32, #tpu.memory_space<hbm>> -> memref<1000000x64xf32, #tpu.memory_space<hbm>>
        tpu.enqueue_indirect_dma source(%dma_start3A_292 : memref<1000000x64xf32, #tpu.memory_space<hbm>>) target(%dma_start3A_288 : memref<104x64xf32, #tpu.memory_space<vmem>>) offsets(%dma_start3A_289 : memref<104xi32, #tpu.memory_space<vmem>>) semaphore(%arg13 : memref<!tpu.dma_semaphore, #tpu.memory_space<semaphore_mem>>)
        %add3A_293 = arith.constant 104 : i32
        %add3A_294 = arith.addi %multiple_of3A_283, %add3A_293 : i32
        %dma_start3A_295 = arith.constant 104 : i32
        %dma_start3A_296 = arith.constant 0 : i32
        %dma_start3A_297 = tpu.memref_slice %arg9[%dma_start3A_295, %dma_start3A_296] : memref<200x64xf32, #tpu.memory_space<vmem>> -> memref<96x64xf32, #tpu.memory_space<vmem>>
        %dma_start3A_298 = tpu.memref_slice %arg6[%add3A_294] : memref<25600xi32, #tpu.memory_space<vmem>> -> memref<96xi32, #tpu.memory_space<vmem>>
        %dma_start3A_299 = arith.constant 0 : i32
        %dma_start3A_300 = arith.constant 0 : i32
        %dma_start3A_301 = tpu.memref_slice %arg3[%dma_start3A_299, %dma_start3A_300] : memref<1000000x64xf32, #tpu.memory_space<hbm>> -> memref<1000000x64xf32, #tpu.memory_space<hbm>>
        tpu.enqueue_indirect_dma source(%dma_start3A_301 : memref<1000000x64xf32, #tpu.memory_space<hbm>>) target(%dma_start3A_297 : memref<96x64xf32, #tpu.memory_space<vmem>>) offsets(%dma_start3A_298 : memref<96xi32, #tpu.memory_space<vmem>>) semaphore(%arg13 : memref<!tpu.dma_semaphore, #tpu.memory_space<semaphore_mem>>)
      } else {
      }
      %mul3A_234 = arith.constant 200 : i32
      %mul3A_235 = arith.muli %add3A_228, %mul3A_234 : i32
      %multiple_of3A_236 = tpu.assume_multiple %mul3A_235, 8 : i32
      %add3A_237 = arith.constant 0 : i32
      %add3A_238 = arith.addi %multiple_of3A_236, %add3A_237 : i32
      %dma_wait3A_239 = arith.constant 0 : i32
      %dma_wait3A_240 = arith.constant 0 : i32
      %dma_wait3A_241 = tpu.memref_slice %arg11[%dma_wait3A_239, %dma_wait3A_240] : memref<200x64xf32, #tpu.memory_space<vmem>> -> memref<104x64xf32, #tpu.memory_space<vmem>>
      %dma_wait3A_242 = tpu.memref_slice %arg6[%add3A_238] : memref<25600xi32, #tpu.memory_space<vmem>> -> memref<104xi32, #tpu.memory_space<vmem>>
      %dma_wait3A_243 = arith.constant 0 : i32
      %dma_wait3A_244 = arith.constant 0 : i32
      %dma_wait3A_245 = tpu.memref_slice %arg3[%dma_wait3A_243, %dma_wait3A_244] : memref<1000000x64xf32, #tpu.memory_space<hbm>> -> memref<1000000x64xf32, #tpu.memory_space<hbm>>
      tpu.wait_indirect_dma semaphore(%arg15 : memref<!tpu.dma_semaphore, #tpu.memory_space<semaphore_mem>>) src(%dma_wait3A_245 : memref<1000000x64xf32, #tpu.memory_space<hbm>>) dst(%dma_wait3A_241 : memref<104x64xf32, #tpu.memory_space<vmem>>)
      %add3A_246 = arith.constant 104 : i32
      %add3A_247 = arith.addi %multiple_of3A_236, %add3A_246 : i32
      %dma_wait3A_248 = arith.constant 104 : i32
      %dma_wait3A_249 = arith.constant 0 : i32
      %dma_wait3A_250 = tpu.memref_slice %arg11[%dma_wait3A_248, %dma_wait3A_249] : memref<200x64xf32, #tpu.memory_space<vmem>> -> memref<96x64xf32, #tpu.memory_space<vmem>>
      %dma_wait3A_251 = tpu.memref_slice %arg6[%add3A_247] : memref<25600xi32, #tpu.memory_space<vmem>> -> memref<96xi32, #tpu.memory_space<vmem>>
      %dma_wait3A_252 = arith.constant 0 : i32
      %dma_wait3A_253 = arith.constant 0 : i32
      %dma_wait3A_254 = tpu.memref_slice %arg3[%dma_wait3A_252, %dma_wait3A_253] : memref<1000000x64xf32, #tpu.memory_space<hbm>> -> memref<1000000x64xf32, #tpu.memory_space<hbm>>
      tpu.wait_indirect_dma semaphore(%arg15 : memref<!tpu.dma_semaphore, #tpu.memory_space<semaphore_mem>>) src(%dma_wait3A_254 : memref<1000000x64xf32, #tpu.memory_space<hbm>>) dst(%dma_wait3A_250 : memref<96x64xf32, #tpu.memory_space<vmem>>)
      %parallel_loop3A_255 = arith.constant 0 : i32
      %parallel_loop3A_256 = arith.constant 200 : i32
      %parallel_loop3A_257 = arith.constant 1 : i32
      scf.for %parallel_loop3A_268 = %parallel_loop3A_255 to %parallel_loop3A_256 step %parallel_loop3A_257  : i32 {
        %parallel_loop3A_269 = arith.index_cast %parallel_loop3A_268 : i32 to index
        %parallel_loop3A_270 = arith.constant 0 : index
        %parallel_loop3A_271 = tpu.vector_load %arg11[%parallel_loop3A_269, %parallel_loop3A_270] {strides = array<i32>} : memref<200x64xf32, #tpu.memory_space<vmem>>, vector<1x16xf32>,
        %parallel_loop3A_272 = vector.shape_cast %parallel_loop3A_271 : vector<1x16xf32> to vector<16xf32>
        %parallel_loop3A_273 = arith.constant 8.000000e+00 : f32
        %parallel_loop3A_274 = vector.broadcast %parallel_loop3A_273 : f32 to vector<16xf32>
        %parallel_loop3A_275 = arith.mulf %parallel_loop3A_272, %parallel_loop3A_274 : vector<16xf32>
        %parallel_loop3A_276 = arith.index_cast %parallel_loop3A_268 : i32 to index
        %parallel_loop3A_277 = arith.constant 0 : index
        %parallel_loop3A_278 = tpu.vector_load %arg7[%parallel_loop3A_276, %parallel_loop3A_277] {strides = array<i32>} : memref<200x64xf32, #tpu.memory_space<vmem>>, vector<1x16xf32>,
        %parallel_loop3A_279 = vector.shape_cast %parallel_loop3A_278 : vector<1x16xf32> to vector<16xf32>
        %parallel_loop3A_280 = arith.addf %parallel_loop3A_275, %parallel_loop3A_279 : vector<16xf32>
        %parallel_loop3A_281 = arith.index_cast %parallel_loop3A_268 : i32 to index
        %parallel_loop3A_282 = arith.constant 0 : index
        %parallel_loop3A_283 = tpu.vector_load %arg11[%parallel_loop3A_281, %parallel_loop3A_282] {strides = array<i32>} : memref<200x64xf32, #tpu.memory_space<vmem>>, vector<1x16xf32>,
        %parallel_loop3A_284 = vector.shape_cast %parallel_loop3A_283 : vector<1x16xf32> to vector<16xf32>
        %parallel_loop3A_285 = vector.shape_cast %parallel_loop3A_280 : vector<16xf32> to vector<1x16xf32>
        tpu.vector_store %arg11[%parallel_loop3A_281, %parallel_loop3A_282], %parallel_loop3A_285 {strides = array<i32>} : memref<200x64xf32, #tpu.memory_space<vmem>>, vector<1x16xf32>,
        %parallel_loop3A_286 = arith.index_cast %parallel_loop3A_268 : i32 to index
        %parallel_loop3A_287 = arith.constant 16 : index
        %parallel_loop3A_288 = tpu.vector_load %arg11[%parallel_loop3A_286, %parallel_loop3A_287] {strides = array<i32>} : memref<200x64xf32, #tpu.memory_space<vmem>>, vector<1x16xf32>,
        %parallel_loop3A_289 = vector.shape_cast %parallel_loop3A_288 : vector<1x16xf32> to vector<16xf32>
        %parallel_loop3A_290 = arith.constant 8.000000e+00 : f32
        %parallel_loop3A_291 = vector.broadcast %parallel_loop3A_290 : f32 to vector<16xf32>
        %parallel_loop3A_292 = arith.mulf %parallel_loop3A_289, %parallel_loop3A_291 : vector<16xf32>
        %parallel_loop3A_293 = arith.index_cast %parallel_loop3A_268 : i32 to index
        %parallel_loop3A_294 = arith.constant 16 : index
        %parallel_loop3A_295 = tpu.vector_load %arg7[%parallel_loop3A_293, %parallel_loop3A_294] {strides = array<i32>} : memref<200x64xf32, #tpu.memory_space<vmem>>, vector<1x16xf32>,
        %parallel_loop3A_296 = vector.shape_cast %parallel_loop3A_295 : vector<1x16xf32> to vector<16xf32>
        %parallel_loop3A_297 = arith.addf %parallel_loop3A_292, %parallel_loop3A_296 : vector<16xf32>
        %parallel_loop3A_298 = arith.index_cast %parallel_loop3A_268 : i32 to index
        %parallel_loop3A_299 = arith.constant 16 : index
        %parallel_loop3A_300 = tpu.vector_load %arg11[%parallel_loop3A_298, %parallel_loop3A_299] {strides = array<i32>} : memref<200x64xf32, #tpu.memory_space<vmem>>, vector<1x16xf32>,
        %parallel_loop3A_301 = vector.shape_cast %parallel_loop3A_300 : vector<1x16xf32> to vector<16xf32>
        %parallel_loop3A_302 = vector.shape_cast %parallel_loop3A_297 : vector<16xf32> to vector<1x16xf32>
        tpu.vector_store %arg11[%parallel_loop3A_298, %parallel_loop3A_299], %parallel_loop3A_302 {strides = array<i32>} : memref<200x64xf32, #tpu.memory_space<vmem>>, vector<1x16xf32>,
        %parallel_loop3A_303 = arith.index_cast %parallel_loop3A_268 : i32 to index
        %parallel_loop3A_304 = arith.constant 32 : index
        %parallel_loop3A_305 = tpu.vector_load %arg11[%parallel_loop3A_303, %parallel_loop3A_304] {strides = array<i32>} : memref<200x64xf32, #tpu.memory_space<vmem>>, vector<1x16xf32>,
        %parallel_loop3A_306 = vector.shape_cast %parallel_loop3A_305 : vector<1x16xf32> to vector<16xf32>
        %parallel_loop3A_307 = arith.constant 8.000000e+00 : f32
        %parallel_loop3A_308 = vector.broadcast %parallel_loop3A_307 : f32 to vector<16xf32>
        %parallel_loop3A_309 = arith.mulf %parallel_loop3A_306, %parallel_loop3A_308 : vector<16xf32>
        %parallel_loop3A_310 = arith.index_cast %parallel_loop3A_268 : i32 to index
        %parallel_loop3A_311 = arith.constant 32 : index
        %parallel_loop3A_312 = tpu.vector_load %arg7[%parallel_loop3A_310, %parallel_loop3A_311] {strides = array<i32>} : memref<200x64xf32, #tpu.memory_space<vmem>>, vector<1x16xf32>,
        %parallel_loop3A_313 = vector.shape_cast %parallel_loop3A_312 : vector<1x16xf32> to vector<16xf32>
        %parallel_loop3A_314 = arith.addf %parallel_loop3A_309, %parallel_loop3A_313 : vector<16xf32>
        %parallel_loop3A_315 = arith.index_cast %parallel_loop3A_268 : i32 to index
        %parallel_loop3A_316 = arith.constant 32 : index
        %parallel_loop3A_317 = tpu.vector_load %arg11[%parallel_loop3A_315, %parallel_loop3A_316] {strides = array<i32>} : memref<200x64xf32, #tpu.memory_space<vmem>>, vector<1x16xf32>,
        %parallel_loop3A_318 = vector.shape_cast %parallel_loop3A_317 : vector<1x16xf32> to vector<16xf32>
        %parallel_loop3A_319 = vector.shape_cast %parallel_loop3A_314 : vector<16xf32> to vector<1x16xf32>
        tpu.vector_store %arg11[%parallel_loop3A_315, %parallel_loop3A_316], %parallel_loop3A_319 {strides = array<i32>} : memref<200x64xf32, #tpu.memory_space<vmem>>, vector<1x16xf32>,
        %parallel_loop3A_320 = arith.index_cast %parallel_loop3A_268 : i32 to index
        %parallel_loop3A_321 = arith.constant 48 : index
        %parallel_loop3A_322 = tpu.vector_load %arg11[%parallel_loop3A_320, %parallel_loop3A_321] {strides = array<i32>} : memref<200x64xf32, #tpu.memory_space<vmem>>, vector<1x16xf32>,
        %parallel_loop3A_323 = vector.shape_cast %parallel_loop3A_322 : vector<1x16xf32> to vector<16xf32>
        %parallel_loop3A_324 = arith.constant 8.000000e+00 : f32
        %parallel_loop3A_325 = vector.broadcast %parallel_loop3A_324 : f32 to vector<16xf32>
        %parallel_loop3A_326 = arith.mulf %parallel_loop3A_323, %parallel_loop3A_325 : vector<16xf32>
        %parallel_loop3A_327 = arith.index_cast %parallel_loop3A_268 : i32 to index
        %parallel_loop3A_328 = arith.constant 48 : index
        %parallel_loop3A_329 = tpu.vector_load %arg7[%parallel_loop3A_327, %parallel_loop3A_328] {strides = array<i32>} : memref<200x64xf32, #tpu.memory_space<vmem>>, vector<1x16xf32>,
        %parallel_loop3A_330 = vector.shape_cast %parallel_loop3A_329 : vector<1x16xf32> to vector<16xf32>
        %parallel_loop3A_331 = arith.addf %parallel_loop3A_326, %parallel_loop3A_330 : vector<16xf32>
        %parallel_loop3A_332 = arith.index_cast %parallel_loop3A_268 : i32 to index
        %parallel_loop3A_333 = arith.constant 48 : index
        %parallel_loop3A_334 = tpu.vector_load %arg11[%parallel_loop3A_332, %parallel_loop3A_333] {strides = array<i32>} : memref<200x64xf32, #tpu.memory_space<vmem>>, vector<1x16xf32>,
        %parallel_loop3A_335 = vector.shape_cast %parallel_loop3A_334 : vector<1x16xf32> to vector<16xf32>
        %parallel_loop3A_336 = vector.shape_cast %parallel_loop3A_331 : vector<16xf32> to vector<1x16xf32>
        tpu.vector_store %arg11[%parallel_loop3A_332, %parallel_loop3A_333], %parallel_loop3A_336 {strides = array<i32>} : memref<200x64xf32, #tpu.memory_space<vmem>>, vector<1x16xf32>,
      } {sc.loop_unroll_factor = 4 : i64, sc.parallel_access}
      %mul3A_258 = arith.constant 128 : i32
      %mul3A_259 = arith.muli %add3A, %mul3A_258 : i32
      %add3A_260 = arith.addi %mul3A_259, %add3A_228 : i32
      %mul3A_261 = arith.constant 200 : i32
      %mul3A_262 = arith.muli %add3A_260, %mul3A_261 : i32
      %multiple_of3A_263 = tpu.assume_multiple %mul3A_262, 8 : i32
      %dma_start3A_264 = arith.constant 0 : i32
      %dma_start3A_265 = tpu.memref_slice %arg5[%multiple_of3A_263, %dma_start3A_264] : memref<819200x64xf32, #tpu.memory_space<hbm>> -> memref<200x64xf32, #tpu.memory_space<hbm>>
      %dma_start3A_266 = arith.constant 0 : i32
      %dma_start3A_267 = tpu.memref_slice %arg5[%multiple_of3A_263, %dma_start3A_266] : memref<819200x64xf32, #tpu.memory_space<hbm>> -> memref<200x64xf32, #tpu.memory_space<hbm>>
      tpu.enqueue_dma source(%arg11 : memref<200x64xf32, #tpu.memory_space<vmem>>) target(%dma_start3A_267 : memref<200x64xf32, #tpu.memory_space<hbm>>) target_semaphore(%arg19 : memref<!tpu.dma_semaphore, #tpu.memory_space<semaphore_mem>>)
    }
    %scan3A_47 = arith.constant 32 : i32
    %mul3A_48 = arith.constant 128 : i32
    %mul3A_49 = arith.muli %add3A, %mul3A_48 : i32
    %add3A_50 = arith.constant 124 : i32
    %add3A_51 = arith.addi %mul3A_49, %add3A_50 : i32
    %mul3A_52 = arith.constant 200 : i32
    %mul3A_53 = arith.muli %add3A_51, %mul3A_52 : i32
    %multiple_of3A_54 = tpu.assume_multiple %mul3A_53, 8 : i32
    %dma_wait3A = arith.constant 0 : i32
    %dma_wait3A_55 = tpu.memref_slice %arg5[%multiple_of3A_54, %dma_wait3A] : memref<819200x64xf32, #tpu.memory_space<hbm>> -> memref<200x64xf32, #tpu.memory_space<hbm>>
    %dma_wait3A_56 = arith.constant 0 : i32
    %dma_wait3A_57 = tpu.memref_slice %arg5[%multiple_of3A_54, %dma_wait3A_56] : memref<819200x64xf32, #tpu.memory_space<hbm>> -> memref<200x64xf32, #tpu.memory_space<hbm>>
    tpu.wait_dma2 semaphore(%arg16 : memref<!tpu.dma_semaphore, #tpu.memory_space<semaphore_mem>>) src(%arg8 : memref<200x64xf32, #tpu.memory_space<vmem>>) dst(%dma_wait3A_57 : memref<200x64xf32, #tpu.memory_space<hbm>>)
    %mul3A_58 = arith.constant 128 : i32
    %mul3A_59 = arith.muli %add3A, %mul3A_58 : i32
    %add3A_60 = arith.constant 125 : i32
    %add3A_61 = arith.addi %mul3A_59, %add3A_60 : i32
    %mul3A_62 = arith.constant 200 : i32
    %mul3A_63 = arith.muli %add3A_61, %mul3A_62 : i32
    %multiple_of3A_64 = tpu.assume_multiple %mul3A_63, 8 : i32
    %dma_wait3A_65 = arith.constant 0 : i32
    %dma_wait3A_66 = tpu.memref_slice %arg5[%multiple_of3A_64, %dma_wait3A_65] : memref<819200x64xf32, #tpu.memory_space<hbm>> -> memref<200x64xf32, #tpu.memory_space<hbm>>
    %dma_wait3A_67 = arith.constant 0 : i32
    %dma_wait3A_68 = tpu.memref_slice %arg5[%multiple_of3A_64, %dma_wait3A_67] : memref<819200x64xf32, #tpu.memory_space<hbm>> -> memref<200x64xf32, #tpu.memory_space<hbm>>
    tpu.wait_dma2 semaphore(%arg17 : memref<!tpu.dma_semaphore, #tpu.memory_space<semaphore_mem>>) src(%arg9 : memref<200x64xf32, #tpu.memory_space<vmem>>) dst(%dma_wait3A_68 : memref<200x64xf32, #tpu.memory_space<hbm>>)
    %mul3A_69 = arith.constant 128 : i32
    %mul3A_70 = arith.muli %add3A, %mul3A_69 : i32
    %add3A_71 = arith.constant 126 : i32
    %add3A_72 = arith.addi %mul3A_70, %add3A_71 : i32
    %mul3A_73 = arith.constant 200 : i32
    %mul3A_74 = arith.muli %add3A_72, %mul3A_73 : i32
    %multiple_of3A_75 = tpu.assume_multiple %mul3A_74, 8 : i32
    %dma_wait3A_76 = arith.constant 0 : i32
    %dma_wait3A_77 = tpu.memref_slice %arg5[%multiple_of3A_75, %dma_wait3A_76] : memref<819200x64xf32, #tpu.memory_space<hbm>> -> memref<200x64xf32, #tpu.memory_space<hbm>>
    %dma_wait3A_78 = arith.constant 0 : i32
    %dma_wait3A_79 = tpu.memref_slice %arg5[%multiple_of3A_75, %dma_wait3A_78] : memref<819200x64xf32, #tpu.memory_space<hbm>> -> memref<200x64xf32, #tpu.memory_space<hbm>>
    tpu.wait_dma2 semaphore(%arg18 : memref<!tpu.dma_semaphore, #tpu.memory_space<semaphore_mem>>) src(%arg10 : memref<200x64xf32, #tpu.memory_space<vmem>>) dst(%dma_wait3A_79 : memref<200x64xf32, #tpu.memory_space<hbm>>)
    %mul3A_80 = arith.constant 128 : i32
    %mul3A_81 = arith.muli %add3A, %mul3A_80 : i32
    %add3A_82 = arith.constant 127 : i32
    %add3A_83 = arith.addi %mul3A_81, %add3A_82 : i32
    %mul3A_84 = arith.constant 200 : i32
    %mul3A_85 = arith.muli %add3A_83, %mul3A_84 : i32
    %multiple_of3A_86 = tpu.assume_multiple %mul3A_85, 8 : i32
    %dma_wait3A_87 = arith.constant 0 : i32
    %dma_wait3A_88 = tpu.memref_slice %arg5[%multiple_of3A_86, %dma_wait3A_87] : memref<819200x64xf32, #tpu.memory_space<hbm>> -> memref<200x64xf32, #tpu.memory_space<hbm>>
    %dma_wait3A_89 = arith.constant 0 : i32
    %dma_wait3A_90 = tpu.memref_slice %arg5[%multiple_of3A_86, %dma_wait3A_89] : memref<819200x64xf32, #tpu.memory_space<hbm>> -> memref<200x64xf32, #tpu.memory_space<hbm>>
    tpu.wait_dma2 semaphore(%arg19 : memref<!tpu.dma_semaphore, #tpu.memory_space<semaphore_mem>>) src(%arg11 : memref<200x64xf32, #tpu.memory_space<vmem>>) dst(%dma_wait3A_90 : memref<200x64xf32, #tpu.memory_space<hbm>>)
    return
  }
}

</mosaic_0001>

<sc_bundles>
// kernel: _run.3.cloned.1.call-start
scs
__scs_entry_jumppad:
0x0: {  	(pc) =	sbr.rel $0x88, $3  }
0x1: {  	(tag) =	ssettag $0x0;
	lr =	simm.s32 $0x1  }
0x2: {  	[smem:$0x3F9E] =	sst lr;
	_ =	strace $0xD0000000  }
0x3: {  	_ = 	snop  }
0x4: {  	_ = 	snop  }
0x5: {  	_ = 	snop  }
0x6: {  	_ = 	snop  }
0x7: {  	_ = 	snop  }
__scs_overlays_trampoline_lowered:
0x8: {  	[smem:$0x3FAD] =	sst s0  }
0x9: {  	[smem:$0x3FAE] =	sst s1  }
0xa: {  	[smem:$0x3FAF] =	sst s2  }
0xb: {  	[smem:$0x3FB0] =	sst s3  }
0xc: {  	[smem:$0x3FB1] =	sst s4  }
0xd: {  	[smem:$0x3FB2] =	sst s5  }
0xe: {  	[smem:$0x3FB3] =	sst s6  }
0xf: {  	[smem:$0x3FB4] =	sst s7  }
0x10: {  	[smem:$0x3FB5] =	sst s8  }
0x11: {  	[smem:$0x3FB6] =	sst s9;
	s0 =	simm.s32 @!p0 $0x0  }
0x12: {  	s1 =	sld [smem:$0x3F9C];
	s0 =	simm.s32 @p0 $0x1  }
0x13: {  	[smem:$0x3FB7] =	sst s0;
	s0 =	simm.s32 @!p1 $0x0  }
0x14: {  	s2 =	sld [smem:$0x3F9B];
	s0 =	simm.s32 @p1 $0x1  }
0x15: {  	[smem:$0x3FB8] =	sst s0;
	s0 =	simm.s32 @!p2 $0x0  }
0x16: {  	s3 =	sld [smem:$0x3FDB];
	s0 =	simm.s32 @p2 $0x1  }
0x17: {  	s4 =	simm.s32 $0x1BF5;
	[smem:$0x3FBA] =	sst s0  }
0x18: {  	s0 =	sld [smem:$0x3F9D];
	_ =	swait.ge [sflag:s4], $0x0  }
0x19: {  	s7 =	sld [smem:$0x3F9E]  }
0x1a: {  	s8 =	sadd.s32 $0xFFFFE003, lr  }
0x1b: {  	s9 =	sadd.s32 $0xFFFFFEF7, lr;
	s5 =	simm.s32 $0xFFFFFFFF;
	p2 =	slt.u32 s8, $0xFFFFF086  }
0x1c: {  	p1 =	slt.u32 s9, $0xF7A;
	s5 =	simm.s32 @!p2 $0x0  }
0x1d: {  	s5 =	simm.s32 @p1 $0x1;
	p0 =	seq.s32 s7, s2  }
0x1e: {  	s7 =	smul.u32 @!p0 $0xF7A, s2;
	p2 =	seq.s32 @!p0 s5, $0x0  }
0x1f: {  	s9 =	smul.u32 $0xF7A, s1;
	s8 =	simm.s32 @!p0 $0x1BF5;
	p2 =	por !p2, p0  }
0x20: {  	[sflag:s8] =	ssyncset.s32 @!p0 $0xFFFFF086;
	s6 =	sadd.s32 @!p0 s3, s7;
	s7 =	simm.s32 @!p0 $0x108  }
0x21: {  	s3 =	sadd.s32 s3, s9;
	s6 =	sadd.s32 @!p0 $0x88, s6;
	s7 =	simm.s32 @p2 $0x1082  }
0x22: {  	[simem:s7], [sflag:s8] =	dma.local @!p0 [hbm:s6], $0xF7A  }
0x23: {  	s9 =	sor.u32 $0xD0000000, s2;
	s6 =	simm.s32 $0x108;
	_ =	swait.ge @!p0 [sflag:s8], $0x0  }
0x24: {  	s3 =	sadd.s32 $0x88, s3;
	s6 =	simm.s32 @!p1 $0x1082;
	[sflag:s4] =	ssyncset.s32 $0xFFFFF086  }
0x25: {  	[simem:s6], [sflag:s4] =	dma.local [hbm:s3], $0xF7A  }
0x26: {  	[smem:$0x3F9E] =	sst s1;
	(tag) =	ssettag s2;
	_ =	strace s9  }
0x27: {  	s1 =	sld [smem:$0x3FAE]  }
0x28: {  	s2 =	sld [smem:$0x3FAF]  }
0x29: {  	s4 =	sld [smem:$0x3FB1]  }
0x2a: {  	p0 =	seq.s32 s5, $0x0;
	s5 =	sld [smem:$0x3FB2]  }
0x2b: {  	s6 =	sld [smem:$0x3FB3]  }
0x2c: {  	s7 =	sld [smem:$0x3FB4]  }
0x2d: {  	s3 =	simm.s32 $0x108;
	s8 =	sld [smem:$0x3FB5]  }
0x2e: {  	s3 =	simm.s32 @!p0 $0x1082;
	s9 =	sld [smem:$0x3FB6]  }
0x2f: {  	lr =	sadd.s32 s0, s3;
	s0 =	sld [smem:$0x3FAD]  }
0x30: {  	s3 =	sld [smem:$0x3FB0]  }
0x31: {  	[smem:$0x3FB9] =	sst s10  }
0x32: {  	s10 =	sld [smem:$0x3FB7];
	_ =	sdelay $0x3  }
0x33: {  	p0 =	seq.s32 s10, $0x1;
	s10 =	sld [smem:$0x3FB9];
	_ =	sdelay $0x3  }
0x34: {  	[smem:$0x3FB9] =	sst s10  }
0x35: {  	s10 =	sld [smem:$0x3FB8];
	_ =	sdelay $0x3  }
0x36: {  	p1 =	seq.s32 s10, $0x1;
	s10 =	sld [smem:$0x3FB9];
	_ =	sdelay $0x3  }
0x37: {  	[smem:$0x3FB9] =	sst s10  }
0x38: {  	s10 =	sld [smem:$0x3FBA]  }
0x39: {  	_ = 	snop;
	(pc) =	sbr.ind lr, $3  }
0x3a: {  	_ = 	snop  }
0x3b: {  	_ = 	snop  }
0x3c: {  	p2 =	seq.s32 s10, $0x1;
	s10 =	sld [smem:$0x3FB9]  }
0x3d: {  	_ =	shalt  }
0x3e: {  	_ =	shalt  }
0x3f: {  	_ =	shalt  }
0x40: {  	_ =	shalt  }
0x41: {  	_ =	shalt  }
0x42: {  	_ =	shalt  }
0x43: {  	_ =	shalt  }
0x44: {  	_ =	shalt  }
0x45: {  	_ =	shalt  }
0x46: {  	_ =	shalt  }
0x47: {  	_ =	shalt  }
0x48: {  	_ =	shalt  }
0x49: {  	_ =	shalt  }
0x4a: {  	_ =	shalt  }
0x4b: {  	_ =	shalt  }
0x4c: {  	_ =	shalt  }
0x4d: {  	_ =	shalt  }
0x4e: {  	_ =	shalt  }
0x4f: {  	_ =	shalt  }
0x50: {  	_ =	shalt  }
0x51: {  	_ =	shalt  }
0x52: {  	_ =	shalt  }
0x53: {  	_ =	shalt  }
0x54: {  	_ =	shalt  }
0x55: {  	_ =	shalt  }
0x56: {  	_ =	shalt  }
0x57: {  	_ =	shalt  }
0x58: {  	_ =	shalt  }
0x59: {  	_ =	shalt  }
0x5a: {  	_ =	shalt  }
0x5b: {  	_ =	shalt  }
0x5c: {  	_ =	shalt  }
0x5d: {  	_ =	shalt  }
0x5e: {  	_ =	shalt  }
0x5f: {  	_ =	shalt  }
0x60: {  	_ =	shalt  }
0x61: {  	_ =	shalt  }
0x62: {  	_ =	shalt  }
0x63: {  	_ =	shalt  }
0x64: {  	_ =	shalt  }
0x65: {  	_ =	shalt  }
0x66: {  	_ =	shalt  }
0x67: {  	_ =	shalt  }
0x68: {  	_ =	shalt  }
0x69: {  	_ =	shalt  }
0x6a: {  	_ =	shalt  }
0x6b: {  	_ =	shalt  }
0x6c: {  	_ =	shalt  }
0x6d: {  	_ =	shalt  }
0x6e: {  	_ =	shalt  }
0x6f: {  	_ =	shalt  }
0x70: {  	_ =	shalt  }
0x71: {  	_ =	shalt  }
0x72: {  	_ =	shalt  }
0x73: {  	_ =	shalt  }
0x74: {  	_ =	shalt  }
0x75: {  	_ =	shalt  }
0x76: {  	_ =	shalt  }
0x77: {  	_ =	shalt  }
0x78: {  	_ =	shalt  }
0x79: {  	_ =	shalt  }
0x7a: {  	_ =	shalt  }
0x7b: {  	_ =	shalt  }
0x7c: {  	_ =	shalt  }
0x7d: {  	_ =	shalt  }
0x7e: {  	_ =	shalt  }
0x7f: {  	_ =	shalt  }
0x80: {  	_ =	shalt  }
0x81: {  	_ =	shalt  }
0x82: {  	_ =	shalt  }
0x83: {  	_ =	shalt  }
0x84: {  	_ =	shalt  }
0x85: {  	_ =	shalt  }
0x86: {  	_ =	shalt  }
0x87: {  	_ =	shalt  }
.Lfunc_end0:
.L_simem_size_0:
called_computation.1_lowered:
.L_overlay_start_0:
0x88: {  	s2 =	sld [smem:$0x3FD9]  }
0x89: {  	s3 =	sld [smem:$0x3FFE];
	_ =	sdelay $0x1  }
0x8a: {  	s1 =	srdreg.scid  }
0x8b: {  	s0 =	sand.u32 $0x1, s1  }
0x8c: {  	s17 =	sshll.u32 s0, $0xA;
	s2 =	sadd.s32 s3, s2  }
0x8d: {  	s2 =	sadd.s32 s2, s17  }
0x8e: {  	[smem:$0x3FC5] =	sst s2  }
0x8f: {  	_ = 	snop  }
0x90: {  	s2 =	sld [smem:$0x3FC9]  }
0x91: {  	s18 =	sld [smem:$0x3FD0];
	(tm) =	ssettm $0x1  }
0x92: {  	s4 =	sld [smem:$0x3FFB];
	_ =	sdelay $0x3  }
0x93: {  	_ =	strace s4  }
0x94: {  	s4 =	sld [smem:$0x3FFC];
	_ =	sdelay $0x3  }
0x95: {  	_ =	strace s4  }
0x96: {  	s4 =	sld [smem:$0x3FFD];
	_ =	sdelay $0x3  }
0x97: {  	_ =	strace s4  }
0x98: {  	_ =	strace $0x8FFFFFFF  }
0x99: {  	s19 =	sld [smem:$0x3FDB];
	_ =	sdelay $0x1  }
0x9a: {  	s5 =	simm.s32 $_scs_section_size  }
0x9b: {  	s6 =	simm.s32 $_size__tile_overlayer_lowered;
	s7 =	simm.s32 $_tile_overlayer_lowered  }
0x9c: {  	s22 =	simm.s32 $0x1BFF;
	s21 =	sshll.u32 s7, $0x1;
	s4 =	sadd.s32 s5, s19  }
0x9d: {  	s8 =	simm.s32 $0x0;
	s20 =	sshll.u32 s6, $0x1;
	s6 =	sadd.s32 s21, s4  }
0x9e: {  	[timem:s8], [sflag:s22] =	dma.local [hbm:s6], s20  }
0x9f: {  	_ =	swait.ge [sflag:s22], s20  }
0xa0: {  	s5 =	ssub.s32 $0x0, s20;
	[sflag:s22] =	ssyncset.done $0x0  }
0xa1: {  	[sflag:s22] =	ssyncadd.s32 s5;
	_ =	sdelay $0x1  }
0xa2: {  	s23 =	simm.s32 $0x1B8B  }
0xa3: {  	_ =	swait.ge [sflag:s23], $0x1  }
0xa4: {  	[sflag:s23] =	ssyncset.done $0x0  }
0xa5: {  	s25 =	simm.s32 $0x1B8E;
	s24 =	sld [smem:$0x3FFE];
	[sflag:s23] =	ssyncadd.s32 $0xFFFFFFFF  }
0xa6: {  	s26 =	simm.s32 $execute0_lowered;
	[smem:$0x3FD2] =	sst s25  }
0xa7: {  	s6 =	sshll.u32 s26, $0x1;
	_ =	strace $0x80000046;
	[dreg:$0x1] =	wrdreg $0xFFFFFFFF  }
0xa8: {  	s28 =	simm.s32 $_size_execute0_lowered;
	s4 =	sadd.s32 s4, s6;
	[dreg:$0x0] =	wrdreg $0x0  }
0xa9: {  	s6 =	sshll.u32 s28, $0x1;
	[dreg:$0x2] =	wrdreg s4  }
0xaa: {  	[dreg:$0x3] =	wrdreg s6  }
0xab: {  	[dreg:$0x4] =	wrdreg $0xC0  }
0xac: {  	_ =	task [dreg:s8], $0x5FFFF  }
0xad: {  	[dreg:$0x1] =	wrdreg $0xFFFFFFFF  }
0xae: {  	[dreg:$0x0] =	wrdreg $0x60  }
0xaf: {  	[dreg:$0x2] =	wrdreg s2  }
0xb0: {  	[dreg:$0x3] =	wrdreg s24  }
0xb1: {  	[dreg:$0x4] =	wrdreg s18  }
0xb2: {  	[dreg:$0x5] =	wrdreg $0x9  }
0xb3: {  	_ =	task.clear_ibuf [dreg:s8], $0x6FFFF;
	_ =	strace $0x90000046  }
0xb4: {  	s29 =	simm.s32 $0x9;
	_ =	strace $0x80000048  }
0xb5: {  	_ =	swait.ge [sflag:s29], $0x1  }
0xb6: {  	[sflag:s29] =	ssyncadd.s32 $0xFFFFFFFF  }
0xb7: {  	_ =	strace $0x90000048  }
0xb8: {  	_ =	sfence  }
0xb9: {  	s30 =	sld [smem:$0x0];
	_ =	sdelay $0x2  }
0xba: {  	s31 =	sshll.u32 s1, $0xD;
	s1 =	sshrl.u32 s1, $0x2  }
0xbb: {  	s3 =	sand.u32 $0x4000, s31;
	s1 =	sadd.s32 s1, s30  }
0xbc: {  	s0 =	sor.u32 s3, s0;
	s1 =	sshll.u32 s1, $0x11  }
0xbd: {  	s0 =	sor.u32 s1, s0  }
0xbe: {  	s0 =	sadd.s32 $0x8F2B, s0  }
0xbf: {  	[sflag:s0] =	ssyncadd.remote.s32 $0x1  }
0xc0: {  	_ =	sfence.sel $0xFFFF  }
0xc1: {  	[dreg:$0x0] =	wrdreg $0xFFFFFFFF;
	(pc) =	sbr.abs _section_cstart, $3  }
0xc2: {  	[dreg:$0x1] =	wrdreg $0xFFFFFFFF  }
0xc3: {  	_ =	task.clear_ibuf [dreg:s8], $0x2FFFF;
	_ =	strace $0x9FFFFFFF  }
0xc4: {  	(tm) =	ssettm $0x7FFFFFFF  }
0xc5: {  	_ =	shalt  }
tec
execute0_lowered:
.L_overlay_start_1:
0x0: {  	(tag) =	ssettag $0x1  }
0x1: {  	s0 =	rddreg [dreg:$0x0]  }
0x2: {  	s1 =	rddreg [dreg:$0x1]  }
0x3: {  	s2 =	rddreg [dreg:$0x2];
	s4 =	srdreg.scid  }
0x4: {  	s5 =	stileid.u32;
	s3 =	simm.s32 $0x0;
	s9 =	simm.s32 $0x9  }
0x5: {  	s11 =	simm.s32 $0x68;
	s12 =	simm.s32 $0x9600;
	s13 =	simm.s32 $0x60  }
0x6: {  	s16 =	simm.s32 $0xC800;
	s19 =	simm.s32 $0xFA00;
	s20 =	simm.s32 $0x11400  }
0x7: {  	s21 =	simm.s32 $0x1;
	s22 =	simm.s32 $0x12C00;
	s23 =	simm.s32 $0x14600  }
0x8: {  	s24 =	simm.s32 $0x2;
	s25 =	simm.s32 $0x3;
	s29 =	simm.s32 $0x6  }
0x9: {  	s30 =	simm.s32 $0x7;
	s4 =	sand.u32 $0x1, s4;
	s5 =	sshll.u32 s5, $0x1  }
0xa: {  	s31 =	simm.s32 $0x8;
	[smem:$0x7FF] =	sst s3;
	s5 =	sor.u32 s4, s5  }
0xb: {  	_ =	strace $0x80000047;
	s6 =	ssub.s32 $0x2, s4;
	s7 =	smul.u32 $0xC80, s5  }
0xc: {  	s4 =	sadd.s32 $0xF42E00, s1;
	s1 =	sadd.s32 $0xA00, s1;
	s26 =	sshrl.u32 s6, $0x1  }
0xd: {  	[dreg:$0x4] =	wrdreg s1;
	s1 =	ssub.s32 s6, s26;
	s0 =	sadd.s32 s0, s7  }
0xe: {  	s26 =	simm.s32 $0x4;
	s28 =	smax.u32 s1, $0x1;
	[dreg:$0x5] =	wrdreg s0  }
0xf: {  	s7 =	sshll.u32 s5, $0x7;
	[dreg:$0x6] =	wrdreg s28;
	s0 =	simm.s32 $0x0  }
.LBB2_1:
0x10: {  	s1 =	rddreg [dreg:$0x5]  }
0x11: {  	[tilespmem:s3], [sflag:$0x9] =	stream.linear.gather [hbm4b:s1+s3], $0x6400, $0x38;
	[tilespmem:$0x15E00] =	vst v63  }
0x12: {  	_ =	swait.ge [sflag:s9], $0x6400  }
0x13: {  	[sflag:s9] =	ssyncset.done $0x0  }
0x14: {  	s5 =	simm.s32 $0x6400;
	s14 =	rddreg [dreg:$0x4];
	[sflag:s9] =	ssyncadd.s32 $0xFFFF9C00  }
0x15: {  	[tilespmem:s5], [sflag:$0x9] =	stream.linear.gather [hbm4b:s14+s3], $0x3200, $0x38;
	[tilespmem:$0x15E00] =	vst v63  }
0x16: {  	_ =	swait.ge [sflag:s9], $0x3200  }
0x17: {  	[sflag:s9] =	ssyncset.done $0x0  }
0x18: {  	[sflag:s9] =	ssyncadd.s32 $0xFFFFCE00  }
0x19: {  	[tilespmem:s12], [sflag:$0x1] =	stream.indirect.gather [hbm4b:s4+s11], $0x40, s3, s11, $0xb8;
	[tilespmem:$0x15E00] =	vst v63  }
0x1a: {  	s15 =	simm.s32 $0xB000  }
0x1b: {  	[tilespmem:s15], [sflag:$0x1] =	stream.indirect.gather [hbm4b:s4+s13], $0x40, s11, s13, $0xb8;
	[tilespmem:$0x15E00] =	vst v63  }
0x1c: {  	s17 =	simm.s32 $0xC8  }
0x1d: {  	[tilespmem:s16], [sflag:$0x2] =	stream.indirect.gather [hbm4b:s4+s11], $0x40, s17, s11, $0xb8;
	[tilespmem:$0x15E00] =	vst v63  }
0x1e: {  	s18 =	simm.s32 $0x130;
	s28 =	simm.s32 $0xE200;
	s1 =	simm.s32 $0x0  }
0x1f: {  	[tilespmem:s28], [sflag:$0x2] =	stream.indirect.gather [hbm4b:s4+s13], $0x40, s18, s13, $0xb8;
	[tilespmem:$0x15E00] =	vst v63  }
.LBB2_2:
0x20: {  	p0 =	seq.s32 s1, $0x0  }
0x21: {  	s5 =	smul.u32 @!p0 $0xC80, s1  }
0x22: {  	s6 =	simm.s32 @!p0 $0x7  }
0x23: {  	_ =	swait.ge @!p0 [sflag:s6], $0x3200;
	s14 =	sshra.s32 @!p0 s5, $0x2  }
0x24: {  	[sflag:s6] =	ssyncset.done @!p0 $0x0;
	s14 =	simm.s32 @p0 $0x0  }
0x25: {  	[sflag:s6] =	ssyncadd.s32 @!p0 $0xFFFFCE00;
	s17 =	sadd.s32 $0x190, s14  }
0x26: {  	[tilespmem:s19], [sflag:$0x3] =	stream.indirect.gather [hbm4b:s4+s11], $0x40, s17, s11, $0xb8;
	[tilespmem:$0x15E00] =	vst v63  }
0x27: {  	s18 =	sadd.s32 $0x1F8, s14  }
0x28: {  	[tilespmem:s20], [sflag:$0x3] =	stream.indirect.gather [hbm4b:s4+s13], $0x40, s18, s13, $0xb8;
	[tilespmem:$0x15E00] =	vst v63  }
0x29: {  	_ =	swait.ge [sflag:s21], $0x1A00  }
0x2a: {  	[sflag:s21] =	ssyncset.done $0x0  }
0x2b: {  	[sflag:s21] =	ssyncadd.s32 $0xFFFFE600  }
0x2c: {  	_ =	swait.ge [sflag:s21], $0x1800  }
0x2d: {  	[sflag:s21] =	ssyncset.done $0x0  }
0x2e: {  	s15 =	simm.s32 $0x9680;
	[sflag:s21] =	ssyncadd.s32 $0xFFFFE800  }
0x2f: {  	v0 =	vld [tilespmem:s15+$0x40]  }
0x30: {  	s28 =	simm.s32 $0x6480;
	v1 =	vld [tilespmem:s15+$0xFFFFFFC0]  }
0x31: {  	v2 =	vld [tilespmem:s28+$0x40]  }
0x32: {  	v3 =	vld [tilespmem:s15+$0xFFFFFF80]  }
0x33: {  	v4 =	vld [tilespmem:s15+$0x0]  }
0x34: {  	v5 =	vld [tilespmem:s28+$0xFFFFFF80]  }
0x35: {  	v6 =	vld [tilespmem:s28+$0xFFFFFFC0]  }
0x36: {  	v7 =	vld [tilespmem:s28+$0x0]  }
0x37: {  	s17 =	simm.s32 $0x9780;
	v8 =	vld [tilespmem:s15+$0xFFFFFF90]  }
0x38: {  	s18 =	simm.s32 $0x6580;
	v10 =	vld [tilespmem:s17+$0xFFFFFFC0];
	v0 =	vmul.f32 $8.000000000e+00, v0  }
0x39: {  	v11 =	vld [tilespmem:s18+$0x40]  }
0x3a: {  	v12 =	vld [tilespmem:s17+$0xFFFFFF80];
	v3 =	vmul.f32 $8.000000000e+00, v3;
	v1 =	vmul.f32 $8.000000000e+00, v1;
	v0 =	vadd.f32 v2, v0  }
0x3b: {  	v2 =	vld [tilespmem:s15+$0x50]  }
0x3c: {  	v3 =	vadd.f32 v5, v3;
	v1 =	vadd.f32 v6, v1;
	v5 =	vld [tilespmem:s15+$0xFFFFFFD0];
	[tilespmem:s15+$0x40] =	vst v0  }
0x3d: {  	v4 =	vmul.f32 $8.000000000e+00, v4;
	v0 =	vld [tilespmem:s28+$0x50]  }
0x3e: {  	v6 =	vld [tilespmem:s15+$0x10];
	[tilespmem:s15+$0xFFFFFFC0] =	vst v1  }
0x3f: {  	[tilespmem:s15+$0xFFFFFF80] =	vst v3;
	v1 =	vadd.f32 v7, v4;
	v4 =	vld [tilespmem:s28+$0xFFFFFFD0]  }
0x40: {  	v3 =	vld [tilespmem:s28+$0xFFFFFF90];
	v2 =	vmul.f32 $8.000000000e+00, v2  }
0x41: {  	v13 =	vld [tilespmem:s17+$0x0];
	[tilespmem:s15+$0x0] =	vst v1  }
0x42: {  	v5 =	vmul.f32 $8.000000000e+00, v5;
	v0 =	vadd.f32 v0, v2;
	v2 =	vmul.f32 $8.000000000e+00, v8;
	v8 =	vld [tilespmem:s28+$0x10]  }
0x43: {  	v14 =	vld [tilespmem:s18+$0xFFFFFF80]  }
0x44: {  	v15 =	vld [tilespmem:s18+$0xFFFFFFC0];
	v4 =	vadd.f32 v4, v5  }
0x45: {  	v5 =	vmul.f32 $8.000000000e+00, v6;
	v2 =	vadd.f32 v3, v2;
	v3 =	vld [tilespmem:s15+$0xFFFFFFE0]  }
0x46: {  	v16 =	vld [tilespmem:s18+$0x0];
	[tilespmem:s15+$0xFFFFFFD0] =	vst v4  }
0x47: {  	v4 =	vadd.f32 v8, v5;
	v5 =	vld [tilespmem:s28+$0xFFFFFFE0]  }
0x48: {  	v17 =	vld [tilespmem:s17+$0xFFFFFF90]  }
0x49: {  	v54 =	vld [tilespmem:s17+$0xFFFFFFD0]  }
0x4a: {  	v55 =	vld [tilespmem:s17+$0x10];
	v3 =	vmul.f32 $8.000000000e+00, v3  }
0x4b: {  	v56 =	vld [tilespmem:s17+$0xFFFFFFA0];
	v12 =	vmul.f32 $8.000000000e+00, v12  }
0x4c: {  	v57 =	vld [tilespmem:s17+$0x60];
	v13 =	vmul.f32 $8.000000000e+00, v13;
	v3 =	vadd.f32 v5, v3  }
0x4d: {  	v60 =	vld [tilespmem:s17+$0xFFFFFFE0];
	v12 =	vadd.f32 v14, v12  }
0x4e: {  	v13 =	vadd.f32 v16, v13;
	[tilespmem:s15+$0xFFFFFFE0] =	vst v3;
	v3 =	vld [tilespmem:s17+$0x40]  }
0x4f: {  	v7 =	vld [tilespmem:s15+$0xFFFFFFA0];
	[tilespmem:s17+$0xFFFFFF80] =	vst v12  }
0x50: {  	[tilespmem:s17+$0x0] =	vst v13;
	v12 =	vld [tilespmem:s18+$0xFFFFFF90]  }
0x51: {  	v58 =	vld [tilespmem:s18+$0x10]  }
0x52: {  	v1 =	vld [tilespmem:s15+$0x60]  }
0x53: {  	v6 =	vld [tilespmem:s15+$0x20];
	[tilespmem:s15+$0x50] =	vst v0;
	v3 =	vmul.f32 $8.000000000e+00, v3  }
0x54: {  	v0 =	vld [tilespmem:s28+$0x60];
	[tilespmem:s15+$0xFFFFFF90] =	vst v2  }
0x55: {  	v2 =	vld [tilespmem:s28+$0xFFFFFFA0];
	v3 =	vadd.f32 v11, v3  }
0x56: {  	v11 =	vld [tilespmem:s17+$0x50]  }
0x57: {  	v1 =	vmul.f32 $8.000000000e+00, v1;
	v8 =	vld [tilespmem:s15+$0xFFFFFFB0];
	[tilespmem:s17+$0x40] =	vst v3  }
0x58: {  	v3 =	vmul.f32 $8.000000000e+00, v10;
	v10 =	vld [tilespmem:s18+$0x50]  }
0x59: {  	[tilespmem:s15+$0x10] =	vst v4;
	v4 =	vld [tilespmem:s15+$0x70];
	v0 =	vadd.f32 v0, v1;
	v1 =	vmul.f32 $8.000000000e+00, v7  }
0x5a: {  	v7 =	vld [tilespmem:s28+$0x20];
	v3 =	vadd.f32 v15, v3  }
0x5b: {  	v1 =	vadd.f32 v2, v1;
	v2 =	vld [tilespmem:s15+$0xFFFFFFF0];
	v11 =	vmul.f32 $8.000000000e+00, v11  }
0x5c: {  	v5 =	vld [tilespmem:s15+$0x30];
	[tilespmem:s17+$0xFFFFFFC0] =	vst v3  }
0x5d: {  	[tilespmem:s15+$0x60] =	vst v0;
	v3 =	vld [tilespmem:s18+$0xFFFFFFD0];
	v10 =	vadd.f32 v10, v11  }
0x5e: {  	v0 =	vld [tilespmem:s28+$0x70];
	[tilespmem:s15+$0xFFFFFFA0] =	vst v1  }
0x5f: {  	v1 =	vld [tilespmem:s28+$0xFFFFFFB0];
	v11 =	vmul.f32 $8.000000000e+00, v17;
	[tilespmem:s17+$0x50] =	vst v10  }
0x60: {  	v10 =	vmul.f32 $8.000000000e+00, v54;
	v59 =	vld [tilespmem:s18+$0x60]  }
0x61: {  	v9 =	vld [tilespmem:s28+$0xFFFFFFF0];
	v11 =	vadd.f32 v12, v11  }
0x62: {  	v15 =	vmul.f32 $8.000000000e+00, v55;
	v3 =	vadd.f32 v3, v10;
	v10 =	vld [tilespmem:s17+$0x20]  }
0x63: {  	v13 =	vmul.f32 $8.000000000e+00, v57;
	[tilespmem:s17+$0xFFFFFF90] =	vst v11;
	v11 =	vld [tilespmem:s17+$0xFFFFFFB0]  }
0x64: {  	v4 =	vmul.f32 $8.000000000e+00, v4;
	v61 =	vld [tilespmem:s18+$0xFFFFFFA0];
	[tilespmem:s17+$0xFFFFFFD0] =	vst v3;
	v3 =	vmul.f32 $8.000000000e+00, v6;
	v6 =	vadd.f32 v58, v15  }
0x65: {  	v62 =	vld [tilespmem:s18+$0xFFFFFFE0];
	v13 =	vadd.f32 v59, v13  }
0x66: {  	v0 =	vadd.f32 v0, v4;
	v3 =	vadd.f32 v7, v3;
	v7 =	vmul.f32 $8.000000000e+00, v8;
	[tilespmem:s17+$0x10] =	vst v6;
	v6 =	vld [tilespmem:s17+$0x70]  }
0x67: {  	v4 =	vmul.f32 $8.000000000e+00, v56;
	v8 =	vld [tilespmem:s18+$0x20];
	[tilespmem:s17+$0x60] =	vst v13  }
0x68: {  	[tilespmem:s15+$0x70] =	vst v0;
	v0 =	vmul.f32 $8.000000000e+00, v2;
	v1 =	vadd.f32 v1, v7;
	v7 =	vmul.f32 $8.000000000e+00, v60;
	v63 =	vld [tilespmem:s18+$0x70]  }
0x69: {  	[tilespmem:s15+$0x20] =	vst v3;
	v4 =	vadd.f32 v61, v4;
	v3 =	vld [tilespmem:s17+$0xFFFFFFF0]  }
0x6a: {  	v2 =	vld [tilespmem:s17+$0x30];
	[tilespmem:s15+$0xFFFFFFB0] =	vst v1;
	v1 =	vadd.f32 v62, v7;
	v7 =	vadd.f32 v9, v0;
	v9 =	vmul.f32 $8.000000000e+00, v10  }
0x6b: {  	[tilespmem:s17+$0xFFFFFFA0] =	vst v4;
	v4 =	vld [tilespmem:s28+$0x30];
	v10 =	vmul.f32 $8.000000000e+00, v6  }
0x6c: {  	s10 =	sshll.u32 s1, $0x2;
	v0 =	vmul.f32 $8.000000000e+00, v5;
	v5 =	vld [tilespmem:s18+$0xFFFFFFB0];
	[tilespmem:s17+$0xFFFFFFE0] =	vst v1;
	v8 =	vadd.f32 v8, v9  }
0x6d: {  	s8 =	simm.s32 $0x9880;
	s5 =	simm.s32 $0x4;
	s6 =	simm.s32 $0x6580;
	[tilespmem:s15+$0xFFFFFFF0] =	vst v7;
	v1 =	vmul.f32 $8.000000000e+00, v11;
	v6 =	vld [tilespmem:s18+$0xFFFFFFF0];
	v7 =	vadd.f32 v63, v10  }
.LBB2_3:
0x6e: {  	v9 =	vld [tilespmem:s8+$0x40];
	s5 =	sadd.s32 $0x4, s5;
	v3 =	vmul.f32 $8.000000000e+00, v3;
	[tilespmem:s17+$0x20] =	vst v8  }
0x6f: {  	s18 =	sadd.s32 $0x100, s18;
	v8 =	vld [tilespmem:s8+$0xFFFFFFC0];
	p1 =	slt.u32 s5, $0xC4;
	v2 =	vmul.f32 $8.000000000e+00, v2;
	[tilespmem:s17+$0x70] =	vst v7  }
0x70: {  	v7 =	vld [tilespmem:s18+$0x40];
	v4 =	vadd.f32 v4, v0  }
0x71: {  	v10 =	vld [tilespmem:s8+$0x0];
	v1 =	vadd.f32 v5, v1;
	v0 =	vmov v2  }
0x72: {  	v2 =	vld [tilespmem:s8+$0xFFFFFF80];
	v3 =	vadd.f32 v6, v3;
	[tilespmem:s15+$0x30] =	vst v4;
	s15 =	smov.u32 s17;
	s17 =	smov.u32 s8  }
0x73: {  	v4 =	vld [tilespmem:s18+$0xFFFFFF80];
	v5 =	vmul.f32 $8.000000000e+00, v9;
	[tilespmem:s15+$0xFFFFFFB0] =	vst v1  }
0x74: {  	v1 =	vmul.f32 $8.000000000e+00, v8;
	v6 =	vld [tilespmem:s18+$0xFFFFFFC0];
	[tilespmem:s15+$0xFFFFFFF0] =	vst v3  }
0x75: {  	v3 =	vld [tilespmem:s18+$0x0];
	v5 =	vadd.f32 v7, v5  }
0x76: {  	v7 =	vmul.f32 $8.000000000e+00, v10;
	v8 =	vld [tilespmem:s8+$0x50]  }
0x77: {  	v2 =	vmul.f32 $8.000000000e+00, v2;
	v9 =	vld [tilespmem:s8+$0xFFFFFF90];
	[tilespmem:s8+$0x40] =	vst v5  }
0x78: {  	v5 =	vld [tilespmem:s18+$0x50]  }
0x79: {  	v2 =	vadd.f32 v4, v2;
	v1 =	vadd.f32 v6, v1;
	v4 =	vld [tilespmem:s8+$0xFFFFFFD0]  }
0x7a: {  	v3 =	vadd.f32 v3, v7;
	v6 =	vld [tilespmem:s8+$0x10]  }
0x7b: {  	[tilespmem:s8+$0xFFFFFF80] =	vst v2;
	v2 =	vld [tilespmem:s8+$0xFFFFFFA0];
	v7 =	vmul.f32 $8.000000000e+00, v8  }
0x7c: {  	v8 =	vmul.f32 $8.000000000e+00, v9;
	v9 =	vld [tilespmem:s18+$0xFFFFFF90];
	[tilespmem:s8+$0xFFFFFFC0] =	vst v1  }
0x7d: {  	v1 =	vld [tilespmem:s18+$0xFFFFFFD0];
	[tilespmem:s8+$0x0] =	vst v3;
	v3 =	vadd.f32 v5, v7  }
0x7e: {  	v4 =	vmul.f32 $8.000000000e+00, v4;
	v5 =	vld [tilespmem:s8+$0x60]  }
0x7f: {  	v6 =	vmul.f32 $8.000000000e+00, v6;
	v7 =	vld [tilespmem:s18+$0x10];
	[tilespmem:s8+$0x50] =	vst v3  }
0x80: {  	v2 =	vmul.f32 $8.000000000e+00, v2;
	v3 =	vld [tilespmem:s18+$0x60]  }
0x81: {  	v8 =	vadd.f32 v9, v8;
	v9 =	vld [tilespmem:s8+$0xFFFFFFE0]  }
0x82: {  	v1 =	vadd.f32 v1, v4;
	v4 =	vld [tilespmem:s8+$0x20]  }
0x83: {  	[tilespmem:s8+$0xFFFFFF90] =	vst v8;
	v8 =	vld [tilespmem:s8+$0xFFFFFFB0];
	v5 =	vmul.f32 $8.000000000e+00, v5  }
0x84: {  	v10 =	vld [tilespmem:s18+$0xFFFFFFA0];
	[tilespmem:s8+$0xFFFFFFD0] =	vst v1;
	v1 =	vadd.f32 v7, v6  }
0x85: {  	v6 =	vld [tilespmem:s18+$0xFFFFFFE0];
	v3 =	vadd.f32 v3, v5  }
0x86: {  	v5 =	vmul.f32 $8.000000000e+00, v9;
	[tilespmem:s8+$0x10] =	vst v1;
	v7 =	vld [tilespmem:s8+$0x70]  }
0x87: {  	v9 =	vmul.f32 $8.000000000e+00, v4;
	v11 =	vld [tilespmem:s18+$0x20];
	[tilespmem:s8+$0x60] =	vst v3  }
0x88: {  	v1 =	vmul.f32 $8.000000000e+00, v8;
	v12 =	vld [tilespmem:s18+$0x70]  }
.Ltmp0:
0x89: {  	v4 =	vadd.f32 v10, v2;
	v3 =	vld [tilespmem:s8+$0xFFFFFFF0];
	(pc) =	sbr.rel @p1 .LBB2_3-.Ltmp0, $4  }
0x8a: {  	v6 =	vadd.f32 v6, v5;
	v2 =	vld [tilespmem:s8+$0x30]  }
0x8b: {  	[tilespmem:s8+$0xFFFFFFA0] =	vst v4;
	v7 =	vmul.f32 $8.000000000e+00, v7;
	v4 =	vld [tilespmem:s6+$0x30];
	s6 =	smov.u32 s18  }
0x8c: {  	v5 =	vld [tilespmem:s18+$0xFFFFFFB0];
	[tilespmem:s8+$0xFFFFFFE0] =	vst v6;
	v8 =	vadd.f32 v11, v9  }
0x8d: {  	s8 =	sadd.s32 $0x100, s8;
	v6 =	vld [tilespmem:s18+$0xFFFFFFF0];
	v7 =	vadd.f32 v12, v7  }
0x8e: {  	[tilespmem:s17+$0x20] =	vst v8  }
0x8f: {  	v8 =	vld [tilespmem:s6+$0x30];
	_ =	sdelay $0x1  }
0x90: {  	v3 =	vmul.f32 $8.000000000e+00, v3;
	v0 =	vadd.f32 v4, v0  }
0x91: {  	v2 =	vmul.f32 $8.000000000e+00, v2;
	[tilespmem:s17+$0x70] =	vst v7;
	v1 =	vadd.f32 v5, v1  }
0x92: {  	s5 =	sadd.s32 s7, s10;
	v3 =	vadd.f32 v6, v3;
	[tilespmem:s15+$0x30] =	vst v0  }
0x93: {  	s5 =	smul.u32 $0x640, s5;
	[tilespmem:s17+$0xFFFFFFB0] =	vst v1;
	v0 =	vadd.f32 v8, v2  }
0x94: {  	[tilespmem:s17+$0xFFFFFFF0] =	vst v3  }
0x95: {  	s5 =	sadd.s32 s2, s5;
	[tilespmem:s17+$0x30] =	vst v0  }
0x96: {  	[hbm4b:s5+s3] =	stream.linear.scatter [tilespmem:s12], [sflag:$0x5], $0x3200, $0x38;
	[tilespmem:$0x15E00] =	vst v63  }
0x97: {  	s5 =	simm.s32 @!p0 $0x8  }
0x98: {  	_ =	swait.ge @!p0 [sflag:s5], $0x3200  }
0x99: {  	[sflag:s5] =	ssyncset.done @!p0 $0x0  }
0x9a: {  	s17 =	sadd.s32 $0x258, s14;
	[sflag:s5] =	ssyncadd.s32 @!p0 $0xFFFFCE00  }
0x9b: {  	[tilespmem:s22], [sflag:$0x4] =	stream.indirect.gather [hbm4b:s4+s11], $0x40, s17, s11, $0xb8;
	[tilespmem:$0x15E00] =	vst v63  }
0x9c: {  	s18 =	sadd.s32 $0x2C0, s14  }
0x9d: {  	[tilespmem:s23], [sflag:$0x4] =	stream.indirect.gather [hbm4b:s4+s13], $0x40, s18, s13, $0xb8;
	[tilespmem:$0x15E00] =	vst v63  }
0x9e: {  	_ =	swait.ge [sflag:s24], $0x1A00  }
0x9f: {  	[sflag:s24] =	ssyncset.done $0x0  }
0xa0: {  	[sflag:s24] =	ssyncadd.s32 $0xFFFFE600  }
0xa1: {  	_ =	swait.ge [sflag:s24], $0x1800  }
0xa2: {  	[sflag:s24] =	ssyncset.done $0x0  }
0xa3: {  	s14 =	simm.s32 $0xC880;
	[sflag:s24] =	ssyncadd.s32 $0xFFFFE800  }
0xa4: {  	v0 =	vld [tilespmem:s14+$0x40]  }
0xa5: {  	s28 =	simm.s32 $0x6480;
	v1 =	vld [tilespmem:s14+$0xFFFFFFC0]  }
0xa6: {  	v2 =	vld [tilespmem:s28+$0x40]  }
0xa7: {  	v3 =	vld [tilespmem:s14+$0xFFFFFF80]  }
0xa8: {  	v4 =	vld [tilespmem:s14+$0x0]  }
0xa9: {  	v5 =	vld [tilespmem:s28+$0xFFFFFF80]  }
0xaa: {  	v6 =	vld [tilespmem:s28+$0xFFFFFFC0]  }
0xab: {  	v7 =	vld [tilespmem:s28+$0x0]  }
0xac: {  	s15 =	simm.s32 $0xC980;
	v8 =	vld [tilespmem:s14+$0xFFFFFF90]  }
0xad: {  	s17 =	simm.s32 $0x6580;
	v10 =	vld [tilespmem:s15+$0xFFFFFFC0];
	v0 =	vmul.f32 $8.000000000e+00, v0  }
0xae: {  	v11 =	vld [tilespmem:s17+$0x40]  }
0xaf: {  	v12 =	vld [tilespmem:s15+$0xFFFFFF80];
	v3 =	vmul.f32 $8.000000000e+00, v3;
	v1 =	vmul.f32 $8.000000000e+00, v1;
	v0 =	vadd.f32 v2, v0  }
0xb0: {  	v2 =	vld [tilespmem:s14+$0x50]  }
0xb1: {  	v3 =	vadd.f32 v5, v3;
	v1 =	vadd.f32 v6, v1;
	v5 =	vld [tilespmem:s14+$0xFFFFFFD0];
	[tilespmem:s14+$0x40] =	vst v0  }
0xb2: {  	v4 =	vmul.f32 $8.000000000e+00, v4;
	v0 =	vld [tilespmem:s28+$0x50]  }
0xb3: {  	v6 =	vld [tilespmem:s14+$0x10];
	[tilespmem:s14+$0xFFFFFFC0] =	vst v1  }
0xb4: {  	[tilespmem:s14+$0xFFFFFF80] =	vst v3;
	v1 =	vadd.f32 v7, v4;
	v4 =	vld [tilespmem:s28+$0xFFFFFFD0]  }
0xb5: {  	v3 =	vld [tilespmem:s28+$0xFFFFFF90];
	v2 =	vmul.f32 $8.000000000e+00, v2  }
0xb6: {  	v13 =	vld [tilespmem:s15+$0x0];
	[tilespmem:s14+$0x0] =	vst v1  }
0xb7: {  	v5 =	vmul.f32 $8.000000000e+00, v5;
	v0 =	vadd.f32 v0, v2;
	v2 =	vmul.f32 $8.000000000e+00, v8;
	v8 =	vld [tilespmem:s28+$0x10]  }
0xb8: {  	v14 =	vld [tilespmem:s17+$0xFFFFFF80]  }
0xb9: {  	v15 =	vld [tilespmem:s17+$0xFFFFFFC0];
	v4 =	vadd.f32 v4, v5  }
0xba: {  	v5 =	vmul.f32 $8.000000000e+00, v6;
	v2 =	vadd.f32 v3, v2;
	v3 =	vld [tilespmem:s14+$0xFFFFFFE0]  }
0xbb: {  	v16 =	vld [tilespmem:s17+$0x0];
	[tilespmem:s14+$0xFFFFFFD0] =	vst v4  }
0xbc: {  	v4 =	vadd.f32 v8, v5;
	v5 =	vld [tilespmem:s28+$0xFFFFFFE0]  }
0xbd: {  	v17 =	vld [tilespmem:s15+$0xFFFFFF90]  }
0xbe: {  	v54 =	vld [tilespmem:s15+$0xFFFFFFD0]  }
0xbf: {  	v55 =	vld [tilespmem:s15+$0x10];
	v3 =	vmul.f32 $8.000000000e+00, v3  }
0xc0: {  	v56 =	vld [tilespmem:s15+$0xFFFFFFA0];
	v12 =	vmul.f32 $8.000000000e+00, v12  }
0xc1: {  	v57 =	vld [tilespmem:s15+$0x60];
	v13 =	vmul.f32 $8.000000000e+00, v13;
	v3 =	vadd.f32 v5, v3  }
0xc2: {  	v60 =	vld [tilespmem:s15+$0xFFFFFFE0];
	v12 =	vadd.f32 v14, v12  }
0xc3: {  	v13 =	vadd.f32 v16, v13;
	[tilespmem:s14+$0xFFFFFFE0] =	vst v3;
	v3 =	vld [tilespmem:s15+$0x40]  }
0xc4: {  	v7 =	vld [tilespmem:s14+$0xFFFFFFA0];
	[tilespmem:s15+$0xFFFFFF80] =	vst v12  }
0xc5: {  	[tilespmem:s15+$0x0] =	vst v13;
	v12 =	vld [tilespmem:s17+$0xFFFFFF90]  }
0xc6: {  	v58 =	vld [tilespmem:s17+$0x10]  }
0xc7: {  	v1 =	vld [tilespmem:s14+$0x60]  }
0xc8: {  	v6 =	vld [tilespmem:s14+$0x20];
	[tilespmem:s14+$0x50] =	vst v0;
	v3 =	vmul.f32 $8.000000000e+00, v3  }
0xc9: {  	v0 =	vld [tilespmem:s28+$0x60];
	[tilespmem:s14+$0xFFFFFF90] =	vst v2  }
0xca: {  	v2 =	vld [tilespmem:s28+$0xFFFFFFA0];
	v3 =	vadd.f32 v11, v3  }
0xcb: {  	v11 =	vld [tilespmem:s15+$0x50]  }
0xcc: {  	v1 =	vmul.f32 $8.000000000e+00, v1;
	v8 =	vld [tilespmem:s14+$0xFFFFFFB0];
	[tilespmem:s15+$0x40] =	vst v3  }
0xcd: {  	v3 =	vmul.f32 $8.000000000e+00, v10;
	v10 =	vld [tilespmem:s17+$0x50]  }
0xce: {  	[tilespmem:s14+$0x10] =	vst v4;
	v4 =	vld [tilespmem:s14+$0x70];
	v0 =	vadd.f32 v0, v1;
	v1 =	vmul.f32 $8.000000000e+00, v7  }
0xcf: {  	v7 =	vld [tilespmem:s28+$0x20];
	v3 =	vadd.f32 v15, v3  }
0xd0: {  	v1 =	vadd.f32 v2, v1;
	v2 =	vld [tilespmem:s14+$0xFFFFFFF0];
	v11 =	vmul.f32 $8.000000000e+00, v11  }
0xd1: {  	v5 =	vld [tilespmem:s14+$0x30];
	[tilespmem:s15+$0xFFFFFFC0] =	vst v3  }
0xd2: {  	[tilespmem:s14+$0x60] =	vst v0;
	v3 =	vld [tilespmem:s17+$0xFFFFFFD0];
	v10 =	vadd.f32 v10, v11  }
0xd3: {  	v0 =	vld [tilespmem:s28+$0x70];
	[tilespmem:s14+$0xFFFFFFA0] =	vst v1  }
0xd4: {  	v1 =	vld [tilespmem:s28+$0xFFFFFFB0];
	v11 =	vmul.f32 $8.000000000e+00, v17;
	[tilespmem:s15+$0x50] =	vst v10  }
0xd5: {  	v10 =	vmul.f32 $8.000000000e+00, v54;
	v59 =	vld [tilespmem:s17+$0x60]  }
0xd6: {  	v9 =	vld [tilespmem:s28+$0xFFFFFFF0];
	v11 =	vadd.f32 v12, v11  }
0xd7: {  	v15 =	vmul.f32 $8.000000000e+00, v55;
	v3 =	vadd.f32 v3, v10;
	v10 =	vld [tilespmem:s15+$0x20]  }
0xd8: {  	v13 =	vmul.f32 $8.000000000e+00, v57;
	[tilespmem:s15+$0xFFFFFF90] =	vst v11;
	v11 =	vld [tilespmem:s15+$0xFFFFFFB0]  }
0xd9: {  	v4 =	vmul.f32 $8.000000000e+00, v4;
	v61 =	vld [tilespmem:s17+$0xFFFFFFA0];
	[tilespmem:s15+$0xFFFFFFD0] =	vst v3;
	v3 =	vmul.f32 $8.000000000e+00, v6;
	v6 =	vadd.f32 v58, v15  }
0xda: {  	v62 =	vld [tilespmem:s17+$0xFFFFFFE0];
	v13 =	vadd.f32 v59, v13  }
0xdb: {  	v0 =	vadd.f32 v0, v4;
	v3 =	vadd.f32 v7, v3;
	v7 =	vmul.f32 $8.000000000e+00, v8;
	[tilespmem:s15+$0x10] =	vst v6;
	v6 =	vld [tilespmem:s15+$0x70]  }
0xdc: {  	v4 =	vmul.f32 $8.000000000e+00, v56;
	v8 =	vld [tilespmem:s17+$0x20];
	[tilespmem:s15+$0x60] =	vst v13  }
0xdd: {  	[tilespmem:s14+$0x70] =	vst v0;
	v0 =	vmul.f32 $8.000000000e+00, v2;
	v1 =	vadd.f32 v1, v7;
	v7 =	vmul.f32 $8.000000000e+00, v60;
	v63 =	vld [tilespmem:s17+$0x70]  }
0xde: {  	[tilespmem:s14+$0x20] =	vst v3;
	v4 =	vadd.f32 v61, v4;
	v3 =	vld [tilespmem:s15+$0xFFFFFFF0]  }
0xdf: {  	v2 =	vld [tilespmem:s15+$0x30];
	[tilespmem:s14+$0xFFFFFFB0] =	vst v1;
	v1 =	vadd.f32 v62, v7;
	v7 =	vadd.f32 v9, v0;
	v9 =	vmul.f32 $8.000000000e+00, v10  }
0xe0: {  	[tilespmem:s15+$0xFFFFFFA0] =	vst v4;
	v4 =	vld [tilespmem:s28+$0x30];
	v10 =	vmul.f32 $8.000000000e+00, v6  }
0xe1: {  	s8 =	simm.s32 $0xCA80;
	v0 =	vmul.f32 $8.000000000e+00, v5;
	v5 =	vld [tilespmem:s17+$0xFFFFFFB0];
	[tilespmem:s15+$0xFFFFFFE0] =	vst v1;
	v8 =	vadd.f32 v8, v9  }
0xe2: {  	s6 =	simm.s32 $0x6580;
	s5 =	simm.s32 $0x4;
	s18 =	sor.u32 $0x1, s10;
	[tilespmem:s14+$0xFFFFFFF0] =	vst v7;
	v1 =	vmul.f32 $8.000000000e+00, v11;
	v6 =	vld [tilespmem:s17+$0xFFFFFFF0];
	v7 =	vadd.f32 v63, v10  }
.LBB2_5:
0xe3: {  	v9 =	vld [tilespmem:s8+$0x40];
	s5 =	sadd.s32 $0x4, s5;
	v3 =	vmul.f32 $8.000000000e+00, v3;
	[tilespmem:s15+$0x20] =	vst v8  }
0xe4: {  	s17 =	sadd.s32 $0x100, s17;
	v8 =	vld [tilespmem:s8+$0xFFFFFFC0];
	p0 =	slt.u32 s5, $0xC4;
	v2 =	vmul.f32 $8.000000000e+00, v2;
	[tilespmem:s15+$0x70] =	vst v7  }
0xe5: {  	v7 =	vld [tilespmem:s17+$0x40];
	v4 =	vadd.f32 v4, v0  }
0xe6: {  	v10 =	vld [tilespmem:s8+$0x0];
	v1 =	vadd.f32 v5, v1;
	v0 =	vmov v2  }
0xe7: {  	v2 =	vld [tilespmem:s8+$0xFFFFFF80];
	v3 =	vadd.f32 v6, v3;
	[tilespmem:s14+$0x30] =	vst v4;
	s14 =	smov.u32 s15;
	s15 =	smov.u32 s8  }
0xe8: {  	v4 =	vld [tilespmem:s17+$0xFFFFFF80];
	v5 =	vmul.f32 $8.000000000e+00, v9;
	[tilespmem:s14+$0xFFFFFFB0] =	vst v1  }
0xe9: {  	v1 =	vmul.f32 $8.000000000e+00, v8;
	v6 =	vld [tilespmem:s17+$0xFFFFFFC0];
	[tilespmem:s14+$0xFFFFFFF0] =	vst v3  }
0xea: {  	v3 =	vld [tilespmem:s17+$0x0];
	v5 =	vadd.f32 v7, v5  }
0xeb: {  	v7 =	vmul.f32 $8.000000000e+00, v10;
	v8 =	vld [tilespmem:s8+$0x50]  }
0xec: {  	v2 =	vmul.f32 $8.000000000e+00, v2;
	v9 =	vld [tilespmem:s8+$0xFFFFFF90];
	[tilespmem:s8+$0x40] =	vst v5  }
0xed: {  	v5 =	vld [tilespmem:s17+$0x50]  }
0xee: {  	v2 =	vadd.f32 v4, v2;
	v1 =	vadd.f32 v6, v1;
	v4 =	vld [tilespmem:s8+$0xFFFFFFD0]  }
0xef: {  	v3 =	vadd.f32 v3, v7;
	v6 =	vld [tilespmem:s8+$0x10]  }
0xf0: {  	[tilespmem:s8+$0xFFFFFF80] =	vst v2;
	v2 =	vld [tilespmem:s8+$0xFFFFFFA0];
	v7 =	vmul.f32 $8.000000000e+00, v8  }
0xf1: {  	v8 =	vmul.f32 $8.000000000e+00, v9;
	v9 =	vld [tilespmem:s17+$0xFFFFFF90];
	[tilespmem:s8+$0xFFFFFFC0] =	vst v1  }
0xf2: {  	v1 =	vld [tilespmem:s17+$0xFFFFFFD0];
	[tilespmem:s8+$0x0] =	vst v3;
	v3 =	vadd.f32 v5, v7  }
0xf3: {  	v4 =	vmul.f32 $8.000000000e+00, v4;
	v5 =	vld [tilespmem:s8+$0x60]  }
0xf4: {  	v6 =	vmul.f32 $8.000000000e+00, v6;
	v7 =	vld [tilespmem:s17+$0x10];
	[tilespmem:s8+$0x50] =	vst v3  }
0xf5: {  	v2 =	vmul.f32 $8.000000000e+00, v2;
	v3 =	vld [tilespmem:s17+$0x60]  }
0xf6: {  	v8 =	vadd.f32 v9, v8;
	v9 =	vld [tilespmem:s8+$0xFFFFFFE0]  }
0xf7: {  	v1 =	vadd.f32 v1, v4;
	v4 =	vld [tilespmem:s8+$0x20]  }
0xf8: {  	[tilespmem:s8+$0xFFFFFF90] =	vst v8;
	v8 =	vld [tilespmem:s8+$0xFFFFFFB0];
	v5 =	vmul.f32 $8.000000000e+00, v5  }
0xf9: {  	v10 =	vld [tilespmem:s17+$0xFFFFFFA0];
	[tilespmem:s8+$0xFFFFFFD0] =	vst v1;
	v1 =	vadd.f32 v7, v6  }
0xfa: {  	v6 =	vld [tilespmem:s17+$0xFFFFFFE0];
	v3 =	vadd.f32 v3, v5  }
0xfb: {  	v5 =	vmul.f32 $8.000000000e+00, v9;
	[tilespmem:s8+$0x10] =	vst v1;
	v7 =	vld [tilespmem:s8+$0x70]  }
0xfc: {  	v9 =	vmul.f32 $8.000000000e+00, v4;
	v11 =	vld [tilespmem:s17+$0x20];
	[tilespmem:s8+$0x60] =	vst v3  }
0xfd: {  	v1 =	vmul.f32 $8.000000000e+00, v8;
	v12 =	vld [tilespmem:s17+$0x70]  }
.Ltmp1:
0xfe: {  	v4 =	vadd.f32 v10, v2;
	v3 =	vld [tilespmem:s8+$0xFFFFFFF0];
	(pc) =	sbr.rel @p0 .LBB2_5-.Ltmp1, $4  }
0xff: {  	v6 =	vadd.f32 v6, v5;
	v2 =	vld [tilespmem:s8+$0x30]  }
0x100: {  	[tilespmem:s8+$0xFFFFFFA0] =	vst v4;
	v7 =	vmul.f32 $8.000000000e+00, v7;
	v4 =	vld [tilespmem:s6+$0x30];
	s6 =	smov.u32 s17  }
0x101: {  	v5 =	vld [tilespmem:s17+$0xFFFFFFB0];
	[tilespmem:s8+$0xFFFFFFE0] =	vst v6;
	v8 =	vadd.f32 v11, v9  }
0x102: {  	s8 =	sadd.s32 $0x100, s8;
	v6 =	vld [tilespmem:s17+$0xFFFFFFF0];
	v7 =	vadd.f32 v12, v7  }
0x103: {  	[tilespmem:s15+$0x20] =	vst v8  }
0x104: {  	v8 =	vld [tilespmem:s6+$0x30];
	_ =	sdelay $0x1  }
0x105: {  	v3 =	vmul.f32 $8.000000000e+00, v3;
	v0 =	vadd.f32 v4, v0  }
0x106: {  	v2 =	vmul.f32 $8.000000000e+00, v2;
	[tilespmem:s15+$0x70] =	vst v7;
	v1 =	vadd.f32 v5, v1  }
0x107: {  	s5 =	sadd.s32 s7, s18;
	v3 =	vadd.f32 v6, v3;
	[tilespmem:s14+$0x30] =	vst v0  }
0x108: {  	s5 =	smul.u32 $0x640, s5;
	[tilespmem:s15+$0xFFFFFFB0] =	vst v1;
	v0 =	vadd.f32 v8, v2  }
0x109: {  	[tilespmem:s15+$0xFFFFFFF0] =	vst v3  }
0x10a: {  	p0 =	seq.s32 s1, $0x1F;
	s5 =	sadd.s32 s2, s5;
	[tilespmem:s15+$0x30] =	vst v0  }
0x10b: {  	[hbm4b:s5+s3] =	stream.linear.scatter [tilespmem:s16], [sflag:$0x6], $0x3200, $0x38;
	[tilespmem:$0x15E00] =	vst v63  }
0x10c: {  	s6 =	smul.u32 @!p0 $0xC80, s1;
	s5 =	simm.s32 @!p0 $0x5  }
0x10d: {  	_ =	swait.ge @!p0 [sflag:s5], $0x3200  }
0x10e: {  	s8 =	simm.s32 @!p0 $0x9600;
	s14 =	sshra.s32 @!p0 s6, $0x2;
	[sflag:s5] =	ssyncset.done @!p0 $0x0  }
0x10f: {  	s6 =	simm.s32 @!p0 $0x68;
	[sflag:s5] =	ssyncadd.s32 @!p0 $0xFFFFCE00;
	s5 =	sadd.s32 @!p0 $0x320, s14  }
0x110: {  	[tilespmem:s8], [sflag:$0x1] =	stream.indirect.gather @!p0 [hbm4b:s4+s6], $0x40, s5, s6, $0xb8;
	[tilespmem:$0x15E00] =	vst v63  }
0x111: {  	s5 =	sadd.s32 @!p0 $0x388, s14;
	s6 =	simm.s32 @!p0 $0x60;
	s8 =	simm.s32 @!p0 $0xB000  }
0x112: {  	[tilespmem:s8], [sflag:$0x1] =	stream.indirect.gather @!p0 [hbm4b:s4+s6], $0x40, s5, s6, $0xb8;
	[tilespmem:$0x15E00] =	vst v63  }
0x113: {  	_ =	swait.ge [sflag:s25], $0x1A00  }
0x114: {  	[sflag:s25] =	ssyncset.done $0x0  }
0x115: {  	[sflag:s25] =	ssyncadd.s32 $0xFFFFE600  }
0x116: {  	_ =	swait.ge [sflag:s25], $0x1800  }
0x117: {  	[sflag:s25] =	ssyncset.done $0x0  }
0x118: {  	s15 =	simm.s32 $0xFA80;
	[sflag:s25] =	ssyncadd.s32 $0xFFFFE800  }
0x119: {  	v0 =	vld [tilespmem:s15+$0x40]  }
0x11a: {  	s8 =	simm.s32 $0x6480;
	v1 =	vld [tilespmem:s15+$0xFFFFFFC0]  }
0x11b: {  	v2 =	vld [tilespmem:s8+$0x40]  }
0x11c: {  	v3 =	vld [tilespmem:s15+$0xFFFFFF80]  }
0x11d: {  	v4 =	vld [tilespmem:s15+$0x0]  }
0x11e: {  	v5 =	vld [tilespmem:s8+$0xFFFFFF80]  }
0x11f: {  	v6 =	vld [tilespmem:s8+$0xFFFFFFC0]  }
0x120: {  	v7 =	vld [tilespmem:s8+$0x0]  }
0x121: {  	s17 =	simm.s32 $0xFB80;
	v8 =	vld [tilespmem:s15+$0xFFFFFF90]  }
0x122: {  	s18 =	simm.s32 $0x6580;
	v10 =	vld [tilespmem:s17+$0xFFFFFFC0];
	v0 =	vmul.f32 $8.000000000e+00, v0  }
0x123: {  	v11 =	vld [tilespmem:s18+$0x40]  }
0x124: {  	v12 =	vld [tilespmem:s17+$0xFFFFFF80];
	v3 =	vmul.f32 $8.000000000e+00, v3;
	v1 =	vmul.f32 $8.000000000e+00, v1;
	v0 =	vadd.f32 v2, v0  }
0x125: {  	v2 =	vld [tilespmem:s15+$0x50]  }
0x126: {  	v3 =	vadd.f32 v5, v3;
	v1 =	vadd.f32 v6, v1;
	v5 =	vld [tilespmem:s15+$0xFFFFFFD0];
	[tilespmem:s15+$0x40] =	vst v0  }
0x127: {  	v4 =	vmul.f32 $8.000000000e+00, v4;
	v0 =	vld [tilespmem:s8+$0x50]  }
0x128: {  	v6 =	vld [tilespmem:s15+$0x10];
	[tilespmem:s15+$0xFFFFFFC0] =	vst v1  }
0x129: {  	[tilespmem:s15+$0xFFFFFF80] =	vst v3;
	v1 =	vadd.f32 v7, v4;
	v4 =	vld [tilespmem:s8+$0xFFFFFFD0]  }
0x12a: {  	v3 =	vld [tilespmem:s8+$0xFFFFFF90];
	v2 =	vmul.f32 $8.000000000e+00, v2  }
0x12b: {  	v13 =	vld [tilespmem:s17+$0x0];
	[tilespmem:s15+$0x0] =	vst v1  }
0x12c: {  	v5 =	vmul.f32 $8.000000000e+00, v5;
	v0 =	vadd.f32 v0, v2;
	v2 =	vmul.f32 $8.000000000e+00, v8;
	v8 =	vld [tilespmem:s8+$0x10]  }
0x12d: {  	v14 =	vld [tilespmem:s18+$0xFFFFFF80]  }
0x12e: {  	v15 =	vld [tilespmem:s18+$0xFFFFFFC0];
	v4 =	vadd.f32 v4, v5  }
0x12f: {  	v5 =	vmul.f32 $8.000000000e+00, v6;
	v2 =	vadd.f32 v3, v2;
	v3 =	vld [tilespmem:s15+$0xFFFFFFE0]  }
0x130: {  	v16 =	vld [tilespmem:s18+$0x0];
	[tilespmem:s15+$0xFFFFFFD0] =	vst v4  }
0x131: {  	v4 =	vadd.f32 v8, v5;
	v5 =	vld [tilespmem:s8+$0xFFFFFFE0]  }
0x132: {  	v17 =	vld [tilespmem:s17+$0xFFFFFF90]  }
0x133: {  	v54 =	vld [tilespmem:s17+$0xFFFFFFD0]  }
0x134: {  	v55 =	vld [tilespmem:s17+$0x10];
	v3 =	vmul.f32 $8.000000000e+00, v3  }
0x135: {  	v56 =	vld [tilespmem:s17+$0xFFFFFFA0];
	v12 =	vmul.f32 $8.000000000e+00, v12  }
0x136: {  	v57 =	vld [tilespmem:s17+$0x60];
	v13 =	vmul.f32 $8.000000000e+00, v13;
	v3 =	vadd.f32 v5, v3  }
0x137: {  	v60 =	vld [tilespmem:s17+$0xFFFFFFE0];
	v12 =	vadd.f32 v14, v12  }
0x138: {  	v13 =	vadd.f32 v16, v13;
	[tilespmem:s15+$0xFFFFFFE0] =	vst v3;
	v3 =	vld [tilespmem:s17+$0x40]  }
0x139: {  	v7 =	vld [tilespmem:s15+$0xFFFFFFA0];
	[tilespmem:s17+$0xFFFFFF80] =	vst v12  }
0x13a: {  	[tilespmem:s17+$0x0] =	vst v13;
	v12 =	vld [tilespmem:s18+$0xFFFFFF90]  }
0x13b: {  	v58 =	vld [tilespmem:s18+$0x10]  }
0x13c: {  	v1 =	vld [tilespmem:s15+$0x60]  }
0x13d: {  	v6 =	vld [tilespmem:s15+$0x20];
	[tilespmem:s15+$0x50] =	vst v0;
	v3 =	vmul.f32 $8.000000000e+00, v3  }
0x13e: {  	v0 =	vld [tilespmem:s8+$0x60];
	[tilespmem:s15+$0xFFFFFF90] =	vst v2  }
0x13f: {  	v2 =	vld [tilespmem:s8+$0xFFFFFFA0];
	v3 =	vadd.f32 v11, v3  }
0x140: {  	v11 =	vld [tilespmem:s17+$0x50]  }
0x141: {  	v1 =	vmul.f32 $8.000000000e+00, v1;
	v8 =	vld [tilespmem:s15+$0xFFFFFFB0];
	[tilespmem:s17+$0x40] =	vst v3  }
0x142: {  	v3 =	vmul.f32 $8.000000000e+00, v10;
	v10 =	vld [tilespmem:s18+$0x50]  }
0x143: {  	[tilespmem:s15+$0x10] =	vst v4;
	v4 =	vld [tilespmem:s15+$0x70];
	v0 =	vadd.f32 v0, v1;
	v1 =	vmul.f32 $8.000000000e+00, v7  }
0x144: {  	v7 =	vld [tilespmem:s8+$0x20];
	v3 =	vadd.f32 v15, v3  }
0x145: {  	v1 =	vadd.f32 v2, v1;
	v2 =	vld [tilespmem:s15+$0xFFFFFFF0];
	v11 =	vmul.f32 $8.000000000e+00, v11  }
0x146: {  	v5 =	vld [tilespmem:s15+$0x30];
	[tilespmem:s17+$0xFFFFFFC0] =	vst v3  }
0x147: {  	[tilespmem:s15+$0x60] =	vst v0;
	v3 =	vld [tilespmem:s18+$0xFFFFFFD0];
	v10 =	vadd.f32 v10, v11  }
0x148: {  	v0 =	vld [tilespmem:s8+$0x70];
	[tilespmem:s15+$0xFFFFFFA0] =	vst v1  }
0x149: {  	v1 =	vld [tilespmem:s8+$0xFFFFFFB0];
	v11 =	vmul.f32 $8.000000000e+00, v17;
	[tilespmem:s17+$0x50] =	vst v10  }
0x14a: {  	v10 =	vmul.f32 $8.000000000e+00, v54;
	v59 =	vld [tilespmem:s18+$0x60]  }
0x14b: {  	v9 =	vld [tilespmem:s8+$0xFFFFFFF0];
	v11 =	vadd.f32 v12, v11  }
0x14c: {  	v15 =	vmul.f32 $8.000000000e+00, v55;
	v3 =	vadd.f32 v3, v10;
	v10 =	vld [tilespmem:s17+$0x20]  }
0x14d: {  	v13 =	vmul.f32 $8.000000000e+00, v57;
	[tilespmem:s17+$0xFFFFFF90] =	vst v11;
	v11 =	vld [tilespmem:s17+$0xFFFFFFB0]  }
0x14e: {  	v4 =	vmul.f32 $8.000000000e+00, v4;
	v61 =	vld [tilespmem:s18+$0xFFFFFFA0];
	[tilespmem:s17+$0xFFFFFFD0] =	vst v3;
	v3 =	vmul.f32 $8.000000000e+00, v6;
	v6 =	vadd.f32 v58, v15  }
0x14f: {  	v62 =	vld [tilespmem:s18+$0xFFFFFFE0];
	v13 =	vadd.f32 v59, v13  }
0x150: {  	v0 =	vadd.f32 v0, v4;
	v3 =	vadd.f32 v7, v3;
	v7 =	vmul.f32 $8.000000000e+00, v8;
	[tilespmem:s17+$0x10] =	vst v6;
	v6 =	vld [tilespmem:s17+$0x70]  }
0x151: {  	v4 =	vmul.f32 $8.000000000e+00, v56;
	v8 =	vld [tilespmem:s18+$0x20];
	[tilespmem:s17+$0x60] =	vst v13  }
0x152: {  	[tilespmem:s15+$0x70] =	vst v0;
	v0 =	vmul.f32 $8.000000000e+00, v2;
	v1 =	vadd.f32 v1, v7;
	v7 =	vmul.f32 $8.000000000e+00, v60;
	v63 =	vld [tilespmem:s18+$0x70]  }
0x153: {  	[tilespmem:s15+$0x20] =	vst v3;
	v4 =	vadd.f32 v61, v4;
	v3 =	vld [tilespmem:s17+$0xFFFFFFF0]  }
0x154: {  	v2 =	vld [tilespmem:s17+$0x30];
	[tilespmem:s15+$0xFFFFFFB0] =	vst v1;
	v1 =	vadd.f32 v62, v7;
	v7 =	vadd.f32 v9, v0;
	v9 =	vmul.f32 $8.000000000e+00, v10  }
0x155: {  	[tilespmem:s17+$0xFFFFFFA0] =	vst v4;
	v4 =	vld [tilespmem:s8+$0x30];
	v10 =	vmul.f32 $8.000000000e+00, v6  }
0x156: {  	s28 =	simm.s32 $0xFC80;
	v0 =	vmul.f32 $8.000000000e+00, v5;
	v5 =	vld [tilespmem:s18+$0xFFFFFFB0];
	[tilespmem:s17+$0xFFFFFFE0] =	vst v1;
	v8 =	vadd.f32 v8, v9  }
0x157: {  	s5 =	sor.u32 $0x2, s10;
	s6 =	simm.s32 $0x4;
	s8 =	simm.s32 $0x6580;
	[tilespmem:s15+$0xFFFFFFF0] =	vst v7;
	v1 =	vmul.f32 $8.000000000e+00, v11;
	v6 =	vld [tilespmem:s18+$0xFFFFFFF0];
	v7 =	vadd.f32 v63, v10  }
.LBB2_7:
0x158: {  	v9 =	vld [tilespmem:s28+$0x40];
	s6 =	sadd.s32 $0x4, s6;
	v3 =	vmul.f32 $8.000000000e+00, v3;
	[tilespmem:s17+$0x20] =	vst v8  }
0x159: {  	s18 =	sadd.s32 $0x100, s18;
	v8 =	vld [tilespmem:s28+$0xFFFFFFC0];
	p1 =	slt.u32 s6, $0xC4;
	v2 =	vmul.f32 $8.000000000e+00, v2;
	[tilespmem:s17+$0x70] =	vst v7  }
0x15a: {  	v7 =	vld [tilespmem:s18+$0x40];
	v4 =	vadd.f32 v4, v0  }
0x15b: {  	v10 =	vld [tilespmem:s28+$0x0];
	v1 =	vadd.f32 v5, v1;
	v0 =	vmov v2  }
0x15c: {  	v2 =	vld [tilespmem:s28+$0xFFFFFF80];
	v3 =	vadd.f32 v6, v3;
	[tilespmem:s15+$0x30] =	vst v4;
	s15 =	smov.u32 s17;
	s17 =	smov.u32 s28  }
0x15d: {  	v4 =	vld [tilespmem:s18+$0xFFFFFF80];
	v5 =	vmul.f32 $8.000000000e+00, v9;
	[tilespmem:s15+$0xFFFFFFB0] =	vst v1  }
0x15e: {  	v1 =	vmul.f32 $8.000000000e+00, v8;
	v6 =	vld [tilespmem:s18+$0xFFFFFFC0];
	[tilespmem:s15+$0xFFFFFFF0] =	vst v3  }
0x15f: {  	v3 =	vld [tilespmem:s18+$0x0];
	v5 =	vadd.f32 v7, v5  }
0x160: {  	v7 =	vmul.f32 $8.000000000e+00, v10;
	v8 =	vld [tilespmem:s28+$0x50]  }
0x161: {  	v2 =	vmul.f32 $8.000000000e+00, v2;
	v9 =	vld [tilespmem:s28+$0xFFFFFF90];
	[tilespmem:s28+$0x40] =	vst v5  }
0x162: {  	v5 =	vld [tilespmem:s18+$0x50]  }
0x163: {  	v2 =	vadd.f32 v4, v2;
	v1 =	vadd.f32 v6, v1;
	v4 =	vld [tilespmem:s28+$0xFFFFFFD0]  }
0x164: {  	v3 =	vadd.f32 v3, v7;
	v6 =	vld [tilespmem:s28+$0x10]  }
0x165: {  	[tilespmem:s28+$0xFFFFFF80] =	vst v2;
	v2 =	vld [tilespmem:s28+$0xFFFFFFA0];
	v7 =	vmul.f32 $8.000000000e+00, v8  }
0x166: {  	v8 =	vmul.f32 $8.000000000e+00, v9;
	v9 =	vld [tilespmem:s18+$0xFFFFFF90];
	[tilespmem:s28+$0xFFFFFFC0] =	vst v1  }
0x167: {  	v1 =	vld [tilespmem:s18+$0xFFFFFFD0];
	[tilespmem:s28+$0x0] =	vst v3;
	v3 =	vadd.f32 v5, v7  }
0x168: {  	v4 =	vmul.f32 $8.000000000e+00, v4;
	v5 =	vld [tilespmem:s28+$0x60]  }
0x169: {  	v6 =	vmul.f32 $8.000000000e+00, v6;
	v7 =	vld [tilespmem:s18+$0x10];
	[tilespmem:s28+$0x50] =	vst v3  }
0x16a: {  	v2 =	vmul.f32 $8.000000000e+00, v2;
	v3 =	vld [tilespmem:s18+$0x60]  }
0x16b: {  	v8 =	vadd.f32 v9, v8;
	v9 =	vld [tilespmem:s28+$0xFFFFFFE0]  }
0x16c: {  	v1 =	vadd.f32 v1, v4;
	v4 =	vld [tilespmem:s28+$0x20]  }
0x16d: {  	[tilespmem:s28+$0xFFFFFF90] =	vst v8;
	v8 =	vld [tilespmem:s28+$0xFFFFFFB0];
	v5 =	vmul.f32 $8.000000000e+00, v5  }
0x16e: {  	v10 =	vld [tilespmem:s18+$0xFFFFFFA0];
	[tilespmem:s28+$0xFFFFFFD0] =	vst v1;
	v1 =	vadd.f32 v7, v6  }
0x16f: {  	v6 =	vld [tilespmem:s18+$0xFFFFFFE0];
	v3 =	vadd.f32 v3, v5  }
0x170: {  	v5 =	vmul.f32 $8.000000000e+00, v9;
	[tilespmem:s28+$0x10] =	vst v1;
	v7 =	vld [tilespmem:s28+$0x70]  }
0x171: {  	v9 =	vmul.f32 $8.000000000e+00, v4;
	v11 =	vld [tilespmem:s18+$0x20];
	[tilespmem:s28+$0x60] =	vst v3  }
0x172: {  	v1 =	vmul.f32 $8.000000000e+00, v8;
	v12 =	vld [tilespmem:s18+$0x70]  }
.Ltmp2:
0x173: {  	v4 =	vadd.f32 v10, v2;
	v3 =	vld [tilespmem:s28+$0xFFFFFFF0];
	(pc) =	sbr.rel @p1 .LBB2_7-.Ltmp2, $4  }
0x174: {  	v6 =	vadd.f32 v6, v5;
	v2 =	vld [tilespmem:s28+$0x30]  }
0x175: {  	[tilespmem:s28+$0xFFFFFFA0] =	vst v4;
	v7 =	vmul.f32 $8.000000000e+00, v7;
	v4 =	vld [tilespmem:s8+$0x30];
	s8 =	smov.u32 s18  }
0x176: {  	v5 =	vld [tilespmem:s18+$0xFFFFFFB0];
	[tilespmem:s28+$0xFFFFFFE0] =	vst v6;
	v8 =	vadd.f32 v11, v9  }
0x177: {  	s28 =	sadd.s32 $0x100, s28;
	v6 =	vld [tilespmem:s18+$0xFFFFFFF0];
	v7 =	vadd.f32 v12, v7  }
0x178: {  	[tilespmem:s17+$0x20] =	vst v8  }
0x179: {  	v8 =	vld [tilespmem:s8+$0x30];
	_ =	sdelay $0x1  }
0x17a: {  	v3 =	vmul.f32 $8.000000000e+00, v3;
	v0 =	vadd.f32 v4, v0  }
0x17b: {  	v2 =	vmul.f32 $8.000000000e+00, v2;
	[tilespmem:s17+$0x70] =	vst v7;
	v1 =	vadd.f32 v5, v1  }
0x17c: {  	s5 =	sadd.s32 s7, s5;
	v3 =	vadd.f32 v6, v3;
	[tilespmem:s15+$0x30] =	vst v0  }
0x17d: {  	s5 =	smul.u32 $0x640, s5;
	[tilespmem:s17+$0xFFFFFFB0] =	vst v1;
	v0 =	vadd.f32 v8, v2  }
0x17e: {  	[tilespmem:s17+$0xFFFFFFF0] =	vst v3  }
0x17f: {  	s5 =	sadd.s32 s2, s5;
	[tilespmem:s17+$0x30] =	vst v0  }
0x180: {  	[hbm4b:s5+s3] =	stream.linear.scatter [tilespmem:s19], [sflag:$0x7], $0x3200, $0x38;
	[tilespmem:$0x15E00] =	vst v63  }
0x181: {  	s5 =	simm.s32 @!p0 $0x6  }
0x182: {  	_ =	swait.ge @!p0 [sflag:s5], $0x3200  }
0x183: {  	s6 =	simm.s32 @!p0 $0x68;
	[sflag:s5] =	ssyncset.done @!p0 $0x0  }
0x184: {  	s8 =	simm.s32 @!p0 $0xC800;
	[sflag:s5] =	ssyncadd.s32 @!p0 $0xFFFFCE00;
	s5 =	sadd.s32 @!p0 $0x3E8, s14  }
0x185: {  	[tilespmem:s8], [sflag:$0x2] =	stream.indirect.gather @!p0 [hbm4b:s4+s6], $0x40, s5, s6, $0xb8;
	[tilespmem:$0x15E00] =	vst v63  }
0x186: {  	s5 =	sadd.s32 @!p0 $0x450, s14;
	s6 =	simm.s32 @!p0 $0x60;
	s8 =	simm.s32 @!p0 $0xE200  }
0x187: {  	[tilespmem:s8], [sflag:$0x2] =	stream.indirect.gather @!p0 [hbm4b:s4+s6], $0x40, s5, s6, $0xb8;
	[tilespmem:$0x15E00] =	vst v63  }
0x188: {  	_ =	swait.ge [sflag:s26], $0x1A00  }
0x189: {  	[sflag:s26] =	ssyncset.done $0x0  }
0x18a: {  	[sflag:s26] =	ssyncadd.s32 $0xFFFFE600  }
0x18b: {  	_ =	swait.ge [sflag:s26], $0x1800  }
0x18c: {  	[sflag:s26] =	ssyncset.done $0x0  }
0x18d: {  	s14 =	simm.s32 $0x12C80;
	[sflag:s26] =	ssyncadd.s32 $0xFFFFE800  }
0x18e: {  	v0 =	vld [tilespmem:s14+$0x40]  }
0x18f: {  	s28 =	simm.s32 $0x6480;
	v1 =	vld [tilespmem:s14+$0xFFFFFFC0]  }
0x190: {  	v2 =	vld [tilespmem:s28+$0x40]  }
0x191: {  	v3 =	vld [tilespmem:s14+$0xFFFFFF80]  }
0x192: {  	v4 =	vld [tilespmem:s14+$0x0]  }
0x193: {  	v5 =	vld [tilespmem:s28+$0xFFFFFF80]  }
0x194: {  	v6 =	vld [tilespmem:s28+$0xFFFFFFC0]  }
0x195: {  	v7 =	vld [tilespmem:s28+$0x0]  }
0x196: {  	s15 =	simm.s32 $0x12D80;
	v8 =	vld [tilespmem:s14+$0xFFFFFF90]  }
0x197: {  	s17 =	simm.s32 $0x6580;
	v10 =	vld [tilespmem:s15+$0xFFFFFFC0];
	v0 =	vmul.f32 $8.000000000e+00, v0  }
0x198: {  	v11 =	vld [tilespmem:s17+$0x40]  }
0x199: {  	v12 =	vld [tilespmem:s15+$0xFFFFFF80];
	v3 =	vmul.f32 $8.000000000e+00, v3;
	v1 =	vmul.f32 $8.000000000e+00, v1;
	v0 =	vadd.f32 v2, v0  }
0x19a: {  	v2 =	vld [tilespmem:s14+$0x50]  }
0x19b: {  	v3 =	vadd.f32 v5, v3;
	v1 =	vadd.f32 v6, v1;
	v5 =	vld [tilespmem:s14+$0xFFFFFFD0];
	[tilespmem:s14+$0x40] =	vst v0  }
0x19c: {  	v4 =	vmul.f32 $8.000000000e+00, v4;
	v0 =	vld [tilespmem:s28+$0x50]  }
0x19d: {  	v6 =	vld [tilespmem:s14+$0x10];
	[tilespmem:s14+$0xFFFFFFC0] =	vst v1  }
0x19e: {  	[tilespmem:s14+$0xFFFFFF80] =	vst v3;
	v1 =	vadd.f32 v7, v4;
	v4 =	vld [tilespmem:s28+$0xFFFFFFD0]  }
0x19f: {  	v3 =	vld [tilespmem:s28+$0xFFFFFF90];
	v2 =	vmul.f32 $8.000000000e+00, v2  }
0x1a0: {  	v13 =	vld [tilespmem:s15+$0x0];
	[tilespmem:s14+$0x0] =	vst v1  }
0x1a1: {  	v5 =	vmul.f32 $8.000000000e+00, v5;
	v0 =	vadd.f32 v0, v2;
	v2 =	vmul.f32 $8.000000000e+00, v8;
	v8 =	vld [tilespmem:s28+$0x10]  }
0x1a2: {  	v14 =	vld [tilespmem:s17+$0xFFFFFF80]  }
0x1a3: {  	v15 =	vld [tilespmem:s17+$0xFFFFFFC0];
	v4 =	vadd.f32 v4, v5  }
0x1a4: {  	v5 =	vmul.f32 $8.000000000e+00, v6;
	v2 =	vadd.f32 v3, v2;
	v3 =	vld [tilespmem:s14+$0xFFFFFFE0]  }
0x1a5: {  	v16 =	vld [tilespmem:s17+$0x0];
	[tilespmem:s14+$0xFFFFFFD0] =	vst v4  }
0x1a6: {  	v4 =	vadd.f32 v8, v5;
	v5 =	vld [tilespmem:s28+$0xFFFFFFE0]  }
0x1a7: {  	v17 =	vld [tilespmem:s15+$0xFFFFFF90]  }
0x1a8: {  	v54 =	vld [tilespmem:s15+$0xFFFFFFD0]  }
0x1a9: {  	v55 =	vld [tilespmem:s15+$0x10];
	v3 =	vmul.f32 $8.000000000e+00, v3  }
0x1aa: {  	v56 =	vld [tilespmem:s15+$0xFFFFFFA0];
	v12 =	vmul.f32 $8.000000000e+00, v12  }
0x1ab: {  	v57 =	vld [tilespmem:s15+$0x60];
	v13 =	vmul.f32 $8.000000000e+00, v13;
	v3 =	vadd.f32 v5, v3  }
0x1ac: {  	v60 =	vld [tilespmem:s15+$0xFFFFFFE0];
	v12 =	vadd.f32 v14, v12  }
0x1ad: {  	v13 =	vadd.f32 v16, v13;
	[tilespmem:s14+$0xFFFFFFE0] =	vst v3;
	v3 =	vld [tilespmem:s15+$0x40]  }
0x1ae: {  	v7 =	vld [tilespmem:s14+$0xFFFFFFA0];
	[tilespmem:s15+$0xFFFFFF80] =	vst v12  }
0x1af: {  	[tilespmem:s15+$0x0] =	vst v13;
	v12 =	vld [tilespmem:s17+$0xFFFFFF90]  }
0x1b0: {  	v58 =	vld [tilespmem:s17+$0x10]  }
0x1b1: {  	v1 =	vld [tilespmem:s14+$0x60]  }
0x1b2: {  	v6 =	vld [tilespmem:s14+$0x20];
	[tilespmem:s14+$0x50] =	vst v0;
	v3 =	vmul.f32 $8.000000000e+00, v3  }
0x1b3: {  	v0 =	vld [tilespmem:s28+$0x60];
	[tilespmem:s14+$0xFFFFFF90] =	vst v2  }
0x1b4: {  	v2 =	vld [tilespmem:s28+$0xFFFFFFA0];
	v3 =	vadd.f32 v11, v3  }
0x1b5: {  	v11 =	vld [tilespmem:s15+$0x50]  }
0x1b6: {  	v1 =	vmul.f32 $8.000000000e+00, v1;
	v8 =	vld [tilespmem:s14+$0xFFFFFFB0];
	[tilespmem:s15+$0x40] =	vst v3  }
0x1b7: {  	v3 =	vmul.f32 $8.000000000e+00, v10;
	v10 =	vld [tilespmem:s17+$0x50]  }
0x1b8: {  	[tilespmem:s14+$0x10] =	vst v4;
	v4 =	vld [tilespmem:s14+$0x70];
	v0 =	vadd.f32 v0, v1;
	v1 =	vmul.f32 $8.000000000e+00, v7  }
0x1b9: {  	v7 =	vld [tilespmem:s28+$0x20];
	v3 =	vadd.f32 v15, v3  }
0x1ba: {  	v1 =	vadd.f32 v2, v1;
	v2 =	vld [tilespmem:s14+$0xFFFFFFF0];
	v11 =	vmul.f32 $8.000000000e+00, v11  }
0x1bb: {  	v5 =	vld [tilespmem:s14+$0x30];
	[tilespmem:s15+$0xFFFFFFC0] =	vst v3  }
0x1bc: {  	[tilespmem:s14+$0x60] =	vst v0;
	v3 =	vld [tilespmem:s17+$0xFFFFFFD0];
	v10 =	vadd.f32 v10, v11  }
0x1bd: {  	v0 =	vld [tilespmem:s28+$0x70];
	[tilespmem:s14+$0xFFFFFFA0] =	vst v1  }
0x1be: {  	v1 =	vld [tilespmem:s28+$0xFFFFFFB0];
	v11 =	vmul.f32 $8.000000000e+00, v17;
	[tilespmem:s15+$0x50] =	vst v10  }
0x1bf: {  	v10 =	vmul.f32 $8.000000000e+00, v54;
	v59 =	vld [tilespmem:s17+$0x60]  }
0x1c0: {  	v9 =	vld [tilespmem:s28+$0xFFFFFFF0];
	v11 =	vadd.f32 v12, v11  }
0x1c1: {  	v15 =	vmul.f32 $8.000000000e+00, v55;
	v3 =	vadd.f32 v3, v10;
	v10 =	vld [tilespmem:s15+$0x20]  }
0x1c2: {  	v13 =	vmul.f32 $8.000000000e+00, v57;
	[tilespmem:s15+$0xFFFFFF90] =	vst v11;
	v11 =	vld [tilespmem:s15+$0xFFFFFFB0]  }
0x1c3: {  	v4 =	vmul.f32 $8.000000000e+00, v4;
	v61 =	vld [tilespmem:s17+$0xFFFFFFA0];
	[tilespmem:s15+$0xFFFFFFD0] =	vst v3;
	v3 =	vmul.f32 $8.000000000e+00, v6;
	v6 =	vadd.f32 v58, v15  }
0x1c4: {  	v62 =	vld [tilespmem:s17+$0xFFFFFFE0];
	v13 =	vadd.f32 v59, v13  }
0x1c5: {  	v0 =	vadd.f32 v0, v4;
	v3 =	vadd.f32 v7, v3;
	v7 =	vmul.f32 $8.000000000e+00, v8;
	[tilespmem:s15+$0x10] =	vst v6;
	v6 =	vld [tilespmem:s15+$0x70]  }
0x1c6: {  	v4 =	vmul.f32 $8.000000000e+00, v56;
	v8 =	vld [tilespmem:s17+$0x20];
	[tilespmem:s15+$0x60] =	vst v13  }
0x1c7: {  	[tilespmem:s14+$0x70] =	vst v0;
	v0 =	vmul.f32 $8.000000000e+00, v2;
	v1 =	vadd.f32 v1, v7;
	v7 =	vmul.f32 $8.000000000e+00, v60;
	v63 =	vld [tilespmem:s17+$0x70]  }
0x1c8: {  	[tilespmem:s14+$0x20] =	vst v3;
	v4 =	vadd.f32 v61, v4;
	v3 =	vld [tilespmem:s15+$0xFFFFFFF0]  }
0x1c9: {  	v2 =	vld [tilespmem:s15+$0x30];
	[tilespmem:s14+$0xFFFFFFB0] =	vst v1;
	v1 =	vadd.f32 v62, v7;
	v7 =	vadd.f32 v9, v0;
	v9 =	vmul.f32 $8.000000000e+00, v10  }
0x1ca: {  	[tilespmem:s15+$0xFFFFFFA0] =	vst v4;
	v4 =	vld [tilespmem:s28+$0x30];
	v10 =	vmul.f32 $8.000000000e+00, v6  }
0x1cb: {  	s5 =	sor.u32 $0x3, s10;
	v0 =	vmul.f32 $8.000000000e+00, v5;
	v5 =	vld [tilespmem:s17+$0xFFFFFFB0];
	[tilespmem:s15+$0xFFFFFFE0] =	vst v1;
	v8 =	vadd.f32 v8, v9  }
0x1cc: {  	s6 =	simm.s32 $0x4;
	s10 =	simm.s32 $0x12E80;
	s8 =	simm.s32 $0x6580;
	[tilespmem:s14+$0xFFFFFFF0] =	vst v7;
	v1 =	vmul.f32 $8.000000000e+00, v11;
	v6 =	vld [tilespmem:s17+$0xFFFFFFF0];
	v7 =	vadd.f32 v63, v10  }
.LBB2_9:
0x1cd: {  	v9 =	vld [tilespmem:s10+$0x40];
	s6 =	sadd.s32 $0x4, s6;
	v3 =	vmul.f32 $8.000000000e+00, v3;
	[tilespmem:s15+$0x20] =	vst v8  }
0x1ce: {  	s17 =	sadd.s32 $0x100, s17;
	v8 =	vld [tilespmem:s10+$0xFFFFFFC0];
	p0 =	slt.u32 s6, $0xC4;
	v2 =	vmul.f32 $8.000000000e+00, v2;
	[tilespmem:s15+$0x70] =	vst v7  }
0x1cf: {  	v7 =	vld [tilespmem:s17+$0x40];
	v4 =	vadd.f32 v4, v0  }
0x1d0: {  	v10 =	vld [tilespmem:s10+$0x0];
	v1 =	vadd.f32 v5, v1;
	v0 =	vmov v2  }
0x1d1: {  	v2 =	vld [tilespmem:s10+$0xFFFFFF80];
	v3 =	vadd.f32 v6, v3;
	[tilespmem:s14+$0x30] =	vst v4;
	s14 =	smov.u32 s15;
	s15 =	smov.u32 s10  }
0x1d2: {  	v4 =	vld [tilespmem:s17+$0xFFFFFF80];
	v5 =	vmul.f32 $8.000000000e+00, v9;
	[tilespmem:s14+$0xFFFFFFB0] =	vst v1  }
0x1d3: {  	v1 =	vmul.f32 $8.000000000e+00, v8;
	v6 =	vld [tilespmem:s17+$0xFFFFFFC0];
	[tilespmem:s14+$0xFFFFFFF0] =	vst v3  }
0x1d4: {  	v3 =	vld [tilespmem:s17+$0x0];
	v5 =	vadd.f32 v7, v5  }
0x1d5: {  	v7 =	vmul.f32 $8.000000000e+00, v10;
	v8 =	vld [tilespmem:s10+$0x50]  }
0x1d6: {  	v2 =	vmul.f32 $8.000000000e+00, v2;
	v9 =	vld [tilespmem:s10+$0xFFFFFF90];
	[tilespmem:s10+$0x40] =	vst v5  }
0x1d7: {  	v5 =	vld [tilespmem:s17+$0x50]  }
0x1d8: {  	v2 =	vadd.f32 v4, v2;
	v1 =	vadd.f32 v6, v1;
	v4 =	vld [tilespmem:s10+$0xFFFFFFD0]  }
0x1d9: {  	v3 =	vadd.f32 v3, v7;
	v6 =	vld [tilespmem:s10+$0x10]  }
0x1da: {  	[tilespmem:s10+$0xFFFFFF80] =	vst v2;
	v2 =	vld [tilespmem:s10+$0xFFFFFFA0];
	v7 =	vmul.f32 $8.000000000e+00, v8  }
0x1db: {  	v8 =	vmul.f32 $8.000000000e+00, v9;
	v9 =	vld [tilespmem:s17+$0xFFFFFF90];
	[tilespmem:s10+$0xFFFFFFC0] =	vst v1  }
0x1dc: {  	v1 =	vld [tilespmem:s17+$0xFFFFFFD0];
	[tilespmem:s10+$0x0] =	vst v3;
	v3 =	vadd.f32 v5, v7  }
0x1dd: {  	v4 =	vmul.f32 $8.000000000e+00, v4;
	v5 =	vld [tilespmem:s10+$0x60]  }
0x1de: {  	v6 =	vmul.f32 $8.000000000e+00, v6;
	v7 =	vld [tilespmem:s17+$0x10];
	[tilespmem:s10+$0x50] =	vst v3  }
0x1df: {  	v2 =	vmul.f32 $8.000000000e+00, v2;
	v3 =	vld [tilespmem:s17+$0x60]  }
0x1e0: {  	v8 =	vadd.f32 v9, v8;
	v9 =	vld [tilespmem:s10+$0xFFFFFFE0]  }
0x1e1: {  	v1 =	vadd.f32 v1, v4;
	v4 =	vld [tilespmem:s10+$0x20]  }
0x1e2: {  	[tilespmem:s10+$0xFFFFFF90] =	vst v8;
	v8 =	vld [tilespmem:s10+$0xFFFFFFB0];
	v5 =	vmul.f32 $8.000000000e+00, v5  }
0x1e3: {  	v10 =	vld [tilespmem:s17+$0xFFFFFFA0];
	[tilespmem:s10+$0xFFFFFFD0] =	vst v1;
	v1 =	vadd.f32 v7, v6  }
0x1e4: {  	v6 =	vld [tilespmem:s17+$0xFFFFFFE0];
	v3 =	vadd.f32 v3, v5  }
0x1e5: {  	v5 =	vmul.f32 $8.000000000e+00, v9;
	[tilespmem:s10+$0x10] =	vst v1;
	v7 =	vld [tilespmem:s10+$0x70]  }
0x1e6: {  	v9 =	vmul.f32 $8.000000000e+00, v4;
	v11 =	vld [tilespmem:s17+$0x20];
	[tilespmem:s10+$0x60] =	vst v3  }
0x1e7: {  	v1 =	vmul.f32 $8.000000000e+00, v8;
	v12 =	vld [tilespmem:s17+$0x70]  }
.Ltmp3:
0x1e8: {  	v4 =	vadd.f32 v10, v2;
	v3 =	vld [tilespmem:s10+$0xFFFFFFF0];
	(pc) =	sbr.rel @p0 .LBB2_9-.Ltmp3, $4  }
0x1e9: {  	v6 =	vadd.f32 v6, v5;
	v2 =	vld [tilespmem:s10+$0x30]  }
0x1ea: {  	[tilespmem:s10+$0xFFFFFFA0] =	vst v4;
	v7 =	vmul.f32 $8.000000000e+00, v7;
	v4 =	vld [tilespmem:s8+$0x30];
	s8 =	smov.u32 s17  }
0x1eb: {  	v5 =	vld [tilespmem:s17+$0xFFFFFFB0];
	[tilespmem:s10+$0xFFFFFFE0] =	vst v6;
	v8 =	vadd.f32 v11, v9  }
0x1ec: {  	s10 =	sadd.s32 $0x100, s10;
	v6 =	vld [tilespmem:s17+$0xFFFFFFF0];
	v7 =	vadd.f32 v12, v7  }
0x1ed: {  	[tilespmem:s15+$0x20] =	vst v8  }
0x1ee: {  	v8 =	vld [tilespmem:s8+$0x30];
	_ =	sdelay $0x1  }
0x1ef: {  	v3 =	vmul.f32 $8.000000000e+00, v3;
	s1 =	sadd.s32 $0x1, s1;
	v0 =	vadd.f32 v4, v0  }
0x1f0: {  	v2 =	vmul.f32 $8.000000000e+00, v2;
	[tilespmem:s15+$0x70] =	vst v7;
	p0 =	sne.s32 s1, $0x20;
	v1 =	vadd.f32 v5, v1  }
.Ltmp4:
0x1f1: {  	s5 =	sadd.s32 s7, s5;
	v3 =	vadd.f32 v6, v3;
	[tilespmem:s14+$0x30] =	vst v0;
	(pc) =	sbr.rel @p0 .LBB2_2-.Ltmp4, $4  }
0x1f2: {  	s5 =	smul.u32 $0x640, s5;
	[tilespmem:s15+$0xFFFFFFB0] =	vst v1;
	v63 =	vadd.f32 v8, v2  }
0x1f3: {  	[tilespmem:s15+$0xFFFFFFF0] =	vst v3  }
0x1f4: {  	s5 =	sadd.s32 s2, s5;
	[tilespmem:s15+$0x30] =	vst v63  }
0x1f5: {  	[hbm4b:s5+s3] =	stream.linear.scatter [tilespmem:s22], [sflag:$0x8], $0x3200, $0x38;
	[tilespmem:$0x15E00] =	vst v63  }
0x1f6: {  	s1 =	simm.s32 $0x5  }
0x1f7: {  	_ =	swait.ge [sflag:s1], $0x3200  }
0x1f8: {  	[sflag:s1] =	ssyncset.done $0x0  }
0x1f9: {  	[sflag:s1] =	ssyncadd.s32 $0xFFFFCE00  }
0x1fa: {  	_ =	swait.ge [sflag:s29], $0x3200  }
0x1fb: {  	[sflag:s29] =	ssyncset.done $0x0  }
0x1fc: {  	[sflag:s29] =	ssyncadd.s32 $0xFFFFCE00  }
0x1fd: {  	_ =	swait.ge [sflag:s30], $0x3200  }
0x1fe: {  	[sflag:s30] =	ssyncset.done $0x0  }
0x1ff: {  	[sflag:s30] =	ssyncadd.s32 $0xFFFFCE00  }
0x200: {  	_ =	swait.ge [sflag:s31], $0x3200  }
0x201: {  	s0 =	sadd.s32 $0x1, s0;
	s28 =	rddreg [dreg:$0x6]  }
0x202: {  	p0 =	sne.s32 s0, s28  }
.Ltmp5:
0x203: {  	_ = 	snop;
	(pc) =	sbr.rel @p0 .LBB2_1-.Ltmp5, $3  }
0x204: {  	_ =	sdelay $0x1  }
0x205: {  	[sflag:s31] =	ssyncset.done $0x0  }
0x206: {  	[sflag:s31] =	ssyncadd.s32 $0xFFFFCE00  }
0x207: {  	_ =	sfence.sel $0x180000  }
0x208: {  	[bflag:$0x0] =	sbarrier.arrive $0xFFFF  }
0x209: {  	_ =	strace $0x90000047  }
0x20a: {  	s0 =	stileid.u32;
	[bflag:$0x2] =	sbarrier.arrive $0xFFFF  }
0x20b: {  	p0 =	sne.s32 s0, $0x0;
	s0 =	rddreg [dreg:$0x3]  }
0x20c: {  	s0 =	sadd.s32 @!p0 $0x100000, s0  }
0x20d: {  	[sflag:s0] =	ssyncadd.tile.s32 @!p0 $0x1;
	_ =	shalt  }
.Lfunc_end2:
_tile_overlayer_lowered:
.L_overlay_start_2:
0x20e: {  	(tag) =	ssettag $0x2  }
0x20f: {  	s0 =	rddreg [dreg:$0x0];
	s2 =	stileid.u32  }
0x210: {  	s1 =	rddreg [dreg:$0x1];
	p0 =	sne.s32 s2, $0x0  }
0x211: {  	s3 =	rddreg [dreg:$0x2];
	[bflag:$0x3] =	sbarrier.arrive $0xFFFF;
	s2 =	simm.s32 @!p0 $0x1C09  }
0x212: {  	[timem:s3], [sflag:s2] =	dma.local @!p0 [hbm:s0], s1  }
0x213: {  	s0 =	simm.s32 @!p0 $0x9  }
0x214: {  	_ =	swait.ge @!p0 [sflag:s0], s1  }
0x215: {  	s1 =	ssub.s32 @!p0 $0x0, s1;
	[sflag:s0] =	ssyncset.done @!p0 $0x0  }
0x216: {  	[sflag:s0] =	ssyncadd.s32 @!p0 s1  }
0x217: {  	[bflag:$0x3] =	sbarrier.arrive $0xFFFF  }
0x218: {  	_ =	shalt  }

// kernel: sparse-core-data-format-call.cloned.1.call-start
scs
called_computation_lowered:
.L_overlay_start_0:
0x0: {  	s2 =	sld [smem:$0x3FD9]  }
0x1: {  	s3 =	sld [smem:$0x3FFE];
	_ =	sdelay $0x1  }
0x2: {  	s1 =	srdreg.scid  }
0x3: {  	s0 =	sand.u32 $0x1, s1  }
0x4: {  	s18 =	sshll.u32 s0, $0xA;
	s2 =	sadd.s32 s3, s2  }
0x5: {  	s2 =	sadd.s32 s2, s18  }
0x6: {  	[smem:$0x3FC5] =	sst s2  }
0x7: {  	_ = 	snop  }
0x8: {  	s2 =	sld [smem:$0x3FD0];
	(tm) =	ssettm $0x1  }
0x9: {  	s19 =	sld [smem:$0x3FFB];
	_ =	sdelay $0x3  }
0xa: {  	_ =	strace s19  }
0xb: {  	s3 =	sld [smem:$0x3FFC];
	_ =	sdelay $0x3  }
0xc: {  	_ =	strace s3  }
0xd: {  	s3 =	sld [smem:$0x3FFD];
	_ =	sdelay $0x3  }
0xe: {  	_ =	strace s3  }
0xf: {  	_ =	strace $0x8FFFFFFF  }
0x10: {  	s20 =	sld [smem:$0x3FDB];
	_ =	sdelay $0x1  }
0x11: {  	s4 =	simm.s32 $_scs_section_size  }
0x12: {  	s5 =	simm.s32 $_size__tile_overlayer_lowered;
	s6 =	simm.s32 $_tile_overlayer_lowered  }
0x13: {  	s23 =	simm.s32 $0x1BFF;
	s22 =	sshll.u32 s6, $0x1;
	s3 =	sadd.s32 s4, s20  }
0x14: {  	s7 =	simm.s32 $0x0;
	s21 =	sshll.u32 s5, $0x1;
	s5 =	sadd.s32 s22, s3  }
0x15: {  	[timem:s7], [sflag:s23] =	dma.local [hbm:s5], s21  }
0x16: {  	_ =	swait.ge [sflag:s23], s21  }
0x17: {  	s4 =	ssub.s32 $0x0, s21;
	[sflag:s23] =	ssyncset.done $0x0  }
0x18: {  	[sflag:s23] =	ssyncadd.s32 s4;
	_ =	sdelay $0x1  }
0x19: {  	s24 =	simm.s32 $0x1B8B  }
0x1a: {  	_ =	swait.ge [sflag:s24], $0x1  }
0x1b: {  	[sflag:s24] =	ssyncset.done $0x0  }
0x1c: {  	s26 =	simm.s32 $0x1B8E;
	s25 =	sld [smem:$0x3FFE];
	[sflag:s24] =	ssyncadd.s32 $0xFFFFFFFF  }
0x1d: {  	s27 =	simm.s32 $execute0_lowered;
	[smem:$0x3FD2] =	sst s26  }
0x1e: {  	s5 =	sshll.u32 s27, $0x1;
	_ =	strace $0x80000049;
	[dreg:$0x1] =	wrdreg $0xFFFFFFFF  }
0x1f: {  	s28 =	simm.s32 $_size_execute0_lowered;
	s3 =	sadd.s32 s3, s5;
	[dreg:$0x0] =	wrdreg $0x0  }
0x20: {  	s5 =	sshll.u32 s28, $0x1;
	[dreg:$0x2] =	wrdreg s3  }
0x21: {  	[dreg:$0x3] =	wrdreg s5  }
0x22: {  	[dreg:$0x4] =	wrdreg $0xC0  }
0x23: {  	_ =	task [dreg:s7], $0x5FFFF  }
0x24: {  	[dreg:$0x1] =	wrdreg $0xFFFFFFFF  }
0x25: {  	[dreg:$0x0] =	wrdreg $0x60  }
0x26: {  	[dreg:$0x2] =	wrdreg s25  }
0x27: {  	[dreg:$0x3] =	wrdreg s2  }
0x28: {  	[dreg:$0x4] =	wrdreg $0x9  }
0x29: {  	_ =	task.clear_ibuf [dreg:s7], $0x5FFFF;
	_ =	strace $0x90000049  }
0x2a: {  	s29 =	simm.s32 $0x9;
	_ =	strace $0x8000004B  }
0x2b: {  	_ =	swait.ge [sflag:s29], $0x1  }
0x2c: {  	[sflag:s29] =	ssyncadd.s32 $0xFFFFFFFF  }
0x2d: {  	_ =	strace $0x9000004B  }
0x2e: {  	_ =	sfence  }
0x2f: {  	s30 =	sld [smem:$0x0];
	_ =	sdelay $0x2  }
0x30: {  	s31 =	sshll.u32 s1, $0xD;
	s1 =	sshrl.u32 s1, $0x2  }
0x31: {  	s3 =	sand.u32 $0x4000, s31;
	s1 =	sadd.s32 s1, s30  }
0x32: {  	s0 =	sor.u32 s3, s0;
	s1 =	sshll.u32 s1, $0x11  }
0x33: {  	s0 =	sor.u32 s1, s0  }
0x34: {  	s0 =	sadd.s32 $0x8F2B, s0  }
0x35: {  	[sflag:s0] =	ssyncadd.remote.s32 $0x1  }
0x36: {  	_ =	sfence.sel $0xFFFF  }
0x37: {  	[dreg:$0x0] =	wrdreg $0xFFFFFFFF;
	(pc) =	sbr.abs _section_cstart, $3  }
0x38: {  	[dreg:$0x1] =	wrdreg $0xFFFFFFFF  }
0x39: {  	_ =	task.clear_ibuf [dreg:s7], $0x2FFFF;
	_ =	strace $0x9FFFFFFF  }
0x3a: {  	(tm) =	ssettm $0x7FFFFFFF  }
0x3b: {  	_ =	shalt  }
tec
execute0_lowered:
.L_overlay_start_1:
0x0: {  	(tag) =	ssettag $0x1  }
0x1: {  	s0 =	srdreg.scid  }
0x2: {  	s1 =	sshll.u32 s0, $0x4  }
0x3: {  	s4 =	rddreg [dreg:$0x0];
	s0 =	stileid.u32;
	s1 =	sand.u32 $0x10, s1  }
0x4: {  	s2 =	rddreg [dreg:$0x1];
	s7 =	simm.s32 $0x1;
	s1 =	sor.u32 s0, s1  }
0x5: {  	s8 =	simm.s32 $0x2;
	s11 =	simm.s32 $0x0;
	s3 =	sshll.u32 s1, $0x7  }
0x6: {  	s10 =	simm.s32 $0x0;
	s4 =	sadd.s32 $0xA00, s4;
	s6 =	ssub.s32 $0xC8000, s3  }
.Ltmp0:
0x7: {  	s1 =	rddreg [dreg:$0x2];
	s5 =	sand.u32 $0xF80, s6;
	(pc) =	sbr.rel .LBB1_1-.Ltmp0, $4  }
0x8: {  	_ =	strace $0x8000004A;
	s9 =	smov.u32 s3;
	p0 =	sne.s32 s5, $0x0  }
0x9: {  	s6 =	sshrl.u32 s6, $0xC;
	s5 =	simm.s32 $0x1;
	s7 =	simm.s32 @!p0 $0x0  }
0xa: {  	[sflag:s5] =	ssyncpa.u1 $0x0;
	p0 =	por $0x0, $0x0;
	s6 =	sadd.s32 s7, s6  }
0xb: {  	[sflag:s8] =	ssyncpa.u1 $0x0;
	s8 =	simm.s32 $0x640000;
	s7 =	sadd.s32 $0x1, s6  }
.LBB1_4:
0xc: {  	s14 =	sshll.u32 s11, $0x3  }
0xd: {  	s30 =	sand.u32 $0x7F, s11;
	s15 =	sand.u32 $0xFFFFFC00, s14  }
0xe: {  	s11 =	sor.u32 s30, s15  }
0xf: {  	s15 =	smulhi.u32 $0x51EB851F, s11  }
0x10: {  	s14 =	smulhi.u32 $0x51EB851F, s14  }
0x11: {  	s15 =	sshrl.u32 s15, $0x12  }
0x12: {  	s14 =	sshrl.u32 s14, $0x12;
	s15 =	smul.u32 $0xC8000, s15  }
0x13: {  	s14 =	sand.u32 $0x3F, s14  }
0x14: {  	s14 =	smul.u32 $0x19000, s14;
	s11 =	ssub.s32 s11, s15  }
0x15: {  	[tilespmem:s13+$0x810 ss:$0x81] =	vst.msk $0xffff, v2;
	s15 =	sand.u32 $0x7, s11  }
0x16: {  	[tilespmem:s13+$0x1020 ss:$0x81] =	vst.msk $0xffff, v0;
	s14 =	sadd.s32 s2, s14;
	s11 =	sshrl.u32 s11, $0x3;
	s15 =	sshll.u32 s15, $0x12  }
0x17: {  	[tilespmem:s13+$0x0 ss:$0x81] =	vst.msk $0xffff, v1;
	s11 =	sadd.s32 s11, s14;
	s31 =	sor.u32 $0x400, s15  }
0x18: {  	[hbm4b:s11+s31] =	stream.strided.scatter [tilespmem:s12], [sflag:$0x2], $0x2000, s8, s31, $0x20;
	[tilespmem:$0x8080] =	vst v63  }
.LBB1_5:
0x19: {  	s13 =	sadd.s32 $0x1000, s9  }
0x1a: {  	p2 =	sgt.s32 s13, $0xC7FFF  }
0x1b: {  	s13 =	smov.u32 @p2 s3;
	p2 =	sne.s32 s10, s7  }
.Ltmp1:
0x1c: {  	p1 =	slt.u32 s10, $0x2;
	(pc) =	sbr.rel @!p2 .LBB1_6-.Ltmp1, $4  }
0x1d: {  	s12 =	simm.s32 @!p1 $0x2  }
0x1e: {  	s14 =	sadd.s32 $0x1, s10;
	_ =	swait.ge @!p1 [sflag:s12], $0x2000  }
0x1f: {  	s11 =	smov.u32 s9;
	p0 =	por !p0, !p0;
	[sflag:s12] =	ssyncset.done @!p1 $0x0  }
0x20: {  	s10 =	smov.u32 s14;
	s9 =	smov.u32 s13;
	[sflag:s12] =	ssyncadd.s32 @!p1 $0xFFFFE000  }
.LBB1_1:
0x21: {  	p1 =	sge.u32 s10, s6  }
0x22: {  	s12 =	sand.u32 @!p1 $0x1FFFFFF, s9  }
0x23: {  	s13 =	smulhi.u32 @!p1 $0x147AE15, s12;
	_ =	sdelay $0x1  }
0x24: {  	s13 =	sshrl.u32 @!p1 s13, $0xC  }
0x25: {  	s13 =	smul.u32 @!p1 $0xC8000, s13;
	_ =	sdelay $0x1  }
0x26: {  	s31 =	sadd.s32 $0xFFFFFFFF, s10;
	s14 =	sxor.u32 @!p1 $0xFFFFFFFF, s10;
	s12 =	ssub.s32 @!p1 s12, s13  }
0x27: {  	s15 =	simm.s32 @!p1 $0x80;
	s14 =	sshll.u32 @!p1 s14, $0xD;
	s12 =	sshll.u32 @!p1 s12, $0x4  }
0x28: {  	s13 =	sand.u32 @!p1 $0x2000, s14;
	s14 =	simm.s32 @!p1 $0x40;
	s12 =	sadd.s32 @!p1 s4, s12  }
0x29: {  	[tilespmem:s13], [sflag:$0x1] =	stream.strided.gather @!p1 [hbm4b:s12+s14], $0x2000, s15, s14, $0x38;
	[tilespmem:$0x8080] =	vst v63  }
0x2a: {  	p1 =	sge.u32 s31, s6  }
.Ltmp2:
0x2b: {  	_ = 	snop;
	(pc) =	sbr.rel @p1 .LBB1_5-.Ltmp2, $1  }
0x2c: {  	_ =	sdelay $0x3  }
0x2d: {  	s12 =	simm.s32 $0x1  }
0x2e: {  	_ =	swait.ge [sflag:s5], $0x2000;
	s12 =	simm.s32 @!p0 $0x0  }
0x2f: {  	[sflag:s5] =	ssyncset.done $0x0;
	s13 =	sshll.u32 s12, $0xD  }
0x30: {  	[sflag:s5] =	ssyncadd.s32 $0xFFFFE000;
	s16 =	sor.u32 $0x20, s13  }
0x31: {  	s12 =	smul.u32 $0x8100, s12;
	v3 =	vld [tilespmem:s16+$0x10]  }
0x32: {  	s30 =	sand.u32 $0x1, s10;
	v2 =	vld [tilespmem:s16+$0xFFFFFFF0]  }
0x33: {  	s13 =	smul.u32 $0x8100, s30;
	s12 =	sshrl.u32 s12, $0x2;
	v0 =	vld [tilespmem:s16+$0x0]  }
0x34: {  	v1 =	vld [tilespmem:s16+$0xFFFFFFE0];
	s14 =	sor.u32 $0x4000, s12  }
0x35: {  	s31 =	sshrl.u32 s13, $0x2;
	s13 =	sadd.s32 $0x0, s14  }
0x36: {  	s15 =	simm.s32 $0x4;
	s16 =	sadd.s32 $0x40, s16;
	s12 =	sor.u32 $0x4000, s31;
	[tilespmem:s13+$0x1830 ss:$0x81] =	vst.msk $0xffff, v3  }
.LBB1_3:
0x37: {  	v3 =	vld [tilespmem:s16+$0x10];
	p1 =	sne.s32 s15, $0x1FC;
	[tilespmem:s13+$0x810 ss:$0x81] =	vst.msk $0xffff, v2;
	s17 =	smov.u32 s15;
	s15 =	sadd.s32 $0x4, s15  }
.Ltmp3:
0x38: {  	v2 =	vld [tilespmem:s16+$0xFFFFFFF0];
	[tilespmem:s13+$0x1020 ss:$0x81] =	vst.msk $0xffff, v0;
	(pc) =	sbr.rel @p1 .LBB1_3-.Ltmp3, $4  }
0x39: {  	v0 =	vld [tilespmem:s16+$0x0];
	[tilespmem:s13+$0x0 ss:$0x81] =	vst.msk $0xffff, v1  }
0x3a: {  	s13 =	sshra.s32 s17, $0x2;
	v1 =	vld [tilespmem:s16+$0xFFFFFFE0]  }
0x3b: {  	s13 =	sadd.s32 s13, s14  }
0x3c: {  	s16 =	sadd.s32 $0x40, s16;
	[tilespmem:s13+$0x1830 ss:$0x81] =	vst.msk $0xffff, v3  }
.Ltmp4:
0x3d: {  	_ = 	snop;
	(pc) =	sbr.rel .LBB1_4-.Ltmp4, $1  }
0x3e: {  	_ =	sdelay $0x3  }
.LBB1_6:
0x3f: {  	_ =	sfence.sel $0x180000  }
0x40: {  	s2 =	simm.s32 $0x1;
	[bflag:$0x0] =	sbarrier.arrive $0xFFFF  }
0x41: {  	s31 =	simm.s32 $0x2;
	[sflag:s2] =	ssyncpa.u1 $0x1  }
0x42: {  	[sflag:s31] =	ssyncpa.u1 $0x1  }
0x43: {  	p0 =	sne.s32 s0, $0x0;
	_ =	strace $0x9000004A  }
0x44: {  	s0 =	sadd.s32 @!p0 $0x100000, s1;
	[bflag:$0x2] =	sbarrier.arrive $0xFFFF  }
0x45: {  	[sflag:s0] =	ssyncadd.tile.s32 @!p0 $0x1;
	_ =	shalt  }
.Lfunc_end1:
_tile_overlayer_lowered:
.L_overlay_start_2:
0x46: {  	(tag) =	ssettag $0x2  }
0x47: {  	s0 =	rddreg [dreg:$0x0];
	s2 =	stileid.u32  }
0x48: {  	s1 =	rddreg [dreg:$0x1];
	p0 =	sne.s32 s2, $0x0  }
0x49: {  	s3 =	rddreg [dreg:$0x2];
	[bflag:$0x3] =	sbarrier.arrive $0xFFFF;
	s2 =	simm.s32 @!p0 $0x1C01  }
0x4a: {  	[timem:s3], [sflag:s2] =	dma.local @!p0 [hbm:s0], s1  }
0x4b: {  	s0 =	simm.s32 @!p0 $0x1  }
0x4c: {  	_ =	swait.ge @!p0 [sflag:s0], s1  }
0x4d: {  	s1 =	ssub.s32 @!p0 $0x0, s1;
	[sflag:s0] =	ssyncset.done @!p0 $0x0  }
0x4e: {  	[sflag:s0] =	ssyncadd.s32 @!p0 s1  }
0x4f: {  	[bflag:$0x3] =	sbarrier.arrive $0xFFFF  }
0x50: {  	_ =	shalt  }

</sc_bundles>
